<compile_context>
chip_gen: v7x
topology: tpu7x:2x2x1
jax: 0.10.2.dev20260603
libtpu: 0.0.44.dev20260713+nightly
codegen_flags: <defaults>
</compile_context>

<pallas_src>
import functools

import numpy as np
import jax
import jax.numpy as jnp
from jax import lax
from jax.experimental import pallas as pl
from jax.experimental.pallas import tpu as pltpu
from jax.experimental.pallas import tpu_sc as plsc

_N = 10000
_E = 320000
_SUB = [1, 3, 3, 1]

_NW = 32
_EPW = _E // _NW
_CH = 80
_NCH = _EPW // _CH
_EPT = _E // 16
_NCHT = _EPT // _CH
_NPAD = 10240
_RPT = _NPAD // 16

_BE = 2000
_BN = 2000


_EYE8 = np.eye(8, dtype=np.float32)


def _build_cayley():
    blades = [0, 1, 2, 4, 3, 5, 6, 7]
    idx = {b: i for i, b in enumerate(blades)}
    c = np.zeros((8, 8, 8), np.float32)
    for i, a in enumerate(blades):
        for k, b in enumerate(blades):
            aa = a >> 1
            sgn = 0
            while aa:
                sgn += bin(aa & b).count('1')
                aa >>= 1
            c[i, idx[a ^ b], k] = -1.0 if sgn % 2 else 1.0
    return c


_CAYLEY = _build_cayley()

_G_NP = np.kron(_EYE8, np.ones((8, 8), np.float32))
_RREP_NP = np.zeros((32, 64), np.float32)
_B2S = [0, 1, 1, 1, 2, 2, 2, 3]
for _n in range(8):
    for _i in range(8):
        _RREP_NP[_n * 4 + _B2S[_i], _n * 8 + _i] = 1.0
_BI_NP = np.stack([
    np.kron(_EYE8, np.tile(_EYE8[i][:, None], (1, 8))) for i in range(8)
]).astype(np.float32)
_PI_NP = np.stack([
    np.kron(_EYE8, _CAYLEY[i].T) for i in range(8)
]).astype(np.float32)
_SSUM_NP = np.kron(_EYE8, np.ones((8, 1), np.float32))




def _kron8(W):
    return jnp.kron(W, jnp.asarray(_EYE8)).T


def _wb_flat(W):
    Wb = jnp.repeat(W, jnp.asarray(np.array(_SUB)), axis=-1,
                    total_repeat_length=8)
    M = jnp.einsum('nmi,ij->minj', Wb, jnp.asarray(_EYE8))
    return M.reshape(W.shape[1] * 8, W.shape[0] * 8)


def _bias0(b):
    out = jnp.zeros((b.shape[0], 8), b.dtype).at[:, 0].set(b)
    return out.reshape(1, -1)




@functools.lru_cache(maxsize=None)
def _build_gather_sc():
    mesh = plsc.VectorSubcoreMesh(core_axis_name="c", subcore_axis_name="s")

    @functools.partial(
        pl.kernel,
        out_type=[jax.ShapeDtypeStruct((_E, 128), jnp.float32),
                  jax.ShapeDtypeStruct((_E, 128), jnp.float32)],
        mesh=mesh,
        scratch_types=[pltpu.VMEM((_CH,), jnp.int32),
                       pltpu.VMEM((_CH,), jnp.int32),
                       pltpu.VMEM((_CH, 128), jnp.float32),
                       pltpu.VMEM((_CH, 128), jnp.float32),
                       pltpu.SemaphoreType.DMA,
                       pltpu.SemaphoreType.DMA],
    )
    def _gather_sc(table_h, ii_h, jj_h, outI_h, outJ_h,
                   idxI_v, idxJ_v, rowsI_v, rowsJ_v, semI, semJ):
        c = lax.axis_index("c")
        sid = lax.axis_index("s")
        wid = c * 16 + sid
        base = wid * _EPW

        def body(t, carry):
            off = base + t * _CH
            pltpu.sync_copy(ii_h.at[pl.ds(off, _CH)], idxI_v)
            pltpu.sync_copy(jj_h.at[pl.ds(off, _CH)], idxJ_v)
            cpI = pltpu.async_copy(table_h.at[idxI_v], rowsI_v, semI)
            cpJ = pltpu.async_copy(table_h.at[idxJ_v], rowsJ_v, semJ)
            cpI.wait()
            pltpu.sync_copy(rowsI_v, outI_h.at[pl.ds(off, _CH)])
            cpJ.wait()
            pltpu.sync_copy(rowsJ_v, outJ_h.at[pl.ds(off, _CH)])
            return carry

        lax.fori_loop(0, _NCH, body, 0)

    return _gather_sc


@functools.lru_cache(maxsize=None)
def _build_scatter_sc():
    mesh = plsc.VectorSubcoreMesh(core_axis_name="c", subcore_axis_name="s")

    @functools.partial(
        pl.kernel,
        out_type=jax.ShapeDtypeStruct((2 * _NPAD, 128), jnp.float32),
        mesh=mesh,
        scratch_types=[pltpu.VMEM((_CH,), jnp.int32),
                       pltpu.VMEM((_CH, 128), jnp.float32),
                       pltpu.VMEM_SHARED((_NPAD, 128), jnp.float32),
                       pltpu.SemaphoreType.DMA],
    )
    def _scatter_sc(msg_h, jj_h, zeros_h, ones_h, out_h,
                    idx_v, rows_v, acc_sh, sem):
        c = lax.axis_index("c")
        sid = lax.axis_index("s")
        r0 = sid * _RPT
        pltpu.sync_copy(zeros_h.at[pl.ds(r0, _RPT)],
                        acc_sh.at[pl.ds(r0, _RPT)])
        plsc.subcore_barrier()
        base = sid * _EPT

        @pl.when(c == 0)
        def _msgs():
            def body(t, carry):
                off = base + t * _CH
                pltpu.sync_copy(jj_h.at[pl.ds(off, _CH)], idx_v)
                pltpu.sync_copy(msg_h.at[pl.ds(off, _CH)], rows_v)
                pltpu.sync_copy(rows_v, acc_sh.at[idx_v], add=True)
                return carry

            lax.fori_loop(0, _NCHT, body, 0)

        @pl.when(c == 1)
        def _counts():
            pltpu.sync_copy(ones_h, rows_v)

            def body(t, carry):
                off = base + t * _CH
                pltpu.sync_copy(jj_h.at[pl.ds(off, _CH)], idx_v)
                pltpu.sync_copy(rows_v, acc_sh.at[idx_v], add=True)
                return carry

            lax.fori_loop(0, _NCHT, body, 0)

        plsc.subcore_barrier()
        pltpu.sync_copy(acc_sh.at[pl.ds(r0, _RPT)],
                        out_h.at[pl.ds(c * _NPAD + r0, _RPT)])

    return _scatter_sc




def _mv_act_flat(h, A, G):
    qk_cat = jnp.dot(h, A, preferred_element_type=jnp.float32)
    q = qk_cat[:, :64]
    k = qk_cat[:, 64:]
    qk = jnp.dot(q * k, G, preferred_element_type=jnp.float32)
    ksq = jnp.dot(k * k, G, preferred_element_type=jnp.float32)
    inv = qk / (ksq + 1e-8)
    gate = jnp.maximum(jnp.sign(qk), 0.0)
    return gate * q + (1.0 - gate) * (q - inv * k)


def _msg_body(eI_ref, eJ_ref, Wbig_ref, SW1c_ref, L0_ref, A0_ref, L1_ref,
              A1_ref, OUT_ref, ESW2_ref, POSW1_ref, PW2R_ref, G_ref,
              bv_ref, bl0_ref, bl1_ref, bout_ref, b1_ref, b2_ref,
              pb1_ref, pb2r_ref, mng_ref, mnb_ref, mna_ref, o_ref):
    G = G_ref[...]
    x = jnp.concatenate([eI_ref[...], eJ_ref[...]], axis=1)
    pre = jnp.dot(x, Wbig_ref[...], preferred_element_type=jnp.float32)
    v_ij = pre[:, 64:] + bv_ref[...]
    vsq = v_ij * v_ij
    h1 = jax.nn.relu(pre[:, :64]
                     + jnp.dot(vsq, SW1c_ref[...],
                               preferred_element_type=jnp.float32)
                     + b1_ref[...])
    h = jnp.dot(v_ij, L0_ref[...], preferred_element_type=jnp.float32) \
        + bl0_ref[...]
    h = _mv_act_flat(h, A0_ref[...], G)
    h = jnp.dot(h, L1_ref[...], preferred_element_type=jnp.float32) \
        + bl1_ref[...]
    h = _mv_act_flat(h, A1_ref[...], G)
    vm = jnp.dot(h, OUT_ref[...], preferred_element_type=jnp.float32) \
        + bout_ref[...]
    sm = jnp.dot(h1, ESW2_ref[...], preferred_element_type=jnp.float32) \
        + b2_ref[...]
    pos8 = jnp.dot(
        jax.nn.relu(jnp.dot(sm, POSW1_ref[...],
                            preferred_element_type=jnp.float32) + pb1_ref[...]),
        PW2R_ref[...], preferred_element_type=jnp.float32) + pb2r_ref[...]
    vm = vm * pos8
    mu = jnp.mean(sm, axis=1, keepdims=True)
    var = jnp.mean((sm - mu) * (sm - mu), axis=1, keepdims=True)
    sm = (sm - mu) / jnp.sqrt(var + 1e-5) * mng_ref[...] + mnb_ref[...]
    persq = jnp.dot(vm * vm, G, preferred_element_type=jnp.float32)
    norm = jnp.sum(jnp.sqrt(persq), axis=1, keepdims=True) / 64.0
    vm = mna_ref[...] * vm / (norm + 1e-6)
    o_ref[...] = jnp.concatenate([sm, vm], axis=1)


def _upd_body(agg_ref, cnt_ref, s_ref, v_ref, UVR_ref, UVL_ref, UVO_ref,
              BI_ref, PI_ref, G_ref, USW1_ref, USW2_ref,
              buvr_ref, buvl_ref, buvo_ref, uva_ref,
              usb1_ref, usb2_ref, ung_ref, unb_ref,
              so_ref, vo_ref):
    tot = agg_ref[...]
    sq = jnp.sqrt(cnt_ref[...][:, :1])
    s_agg = tot[:, :64] / sq
    v_agg = tot[:, 64:128] / sq
    vr = jnp.dot(v_agg, UVR_ref[...], preferred_element_type=jnp.float32) \
        + buvr_ref[...]
    vl = jnp.dot(v_agg, UVL_ref[...], preferred_element_type=jnp.float32) \
        + buvl_ref[...]
    BI = BI_ref[...]
    PI = PI_ref[...]
    go = jnp.zeros_like(vl)
    for i in range(8):
        go = go + jnp.dot(vl, BI[i], preferred_element_type=jnp.float32) * \
            jnp.dot(vr, PI[i], preferred_element_type=jnp.float32)
    gocat = jnp.concatenate([go, v_agg], axis=1)
    vo = jnp.dot(gocat, UVO_ref[...], preferred_element_type=jnp.float32) \
        + buvo_ref[...]
    persq = jnp.dot(vo * vo, G_ref[...], preferred_element_type=jnp.float32)
    norm = jnp.sum(jnp.sqrt(persq), axis=1, keepdims=True) / 64.0
    vo = uva_ref[...] * vo / (norm + 1e-6)
    so = jnp.dot(
        jax.nn.relu(jnp.dot(s_agg, USW1_ref[...],
                            preferred_element_type=jnp.float32) + usb1_ref[...]),
        USW2_ref[...], preferred_element_type=jnp.float32) + usb2_ref[...]
    mu = jnp.mean(so, axis=1, keepdims=True)
    var = jnp.mean((so - mu) * (so - mu), axis=1, keepdims=True)
    so = (so - mu) / jnp.sqrt(var + 1e-5) * ung_ref[...] + unb_ref[...]
    so_ref[...] = so + s_ref[...]
    vo_ref[...] = vo + v_ref[...]


def _full_spec(a):
    nd = a.ndim
    return pl.BlockSpec(a.shape, lambda g, _n=nd: (0,) * _n)


def _row_spec(rows, cols):
    return pl.BlockSpec((rows, cols), lambda g: (g, 0))


def _run_messages(eI, eJ, mats):
    grid = _E // _BE
    in_specs = [_row_spec(_BE, 128), _row_spec(_BE, 128)]
    in_specs += [_full_spec(m) for m in mats]
    return pl.pallas_call(
        _msg_body,
        grid=(grid,),
        in_specs=in_specs,
        out_specs=_row_spec(_BE, 128),
        out_shape=jax.ShapeDtypeStruct((_E, 128), jnp.float32),
    )(eI, eJ, *mats)


def _run_update(agg, cnt, s, vflat, mats):
    grid = _N // _BN
    in_specs = [_row_spec(_BN, 128), _row_spec(_BN, 128),
                _row_spec(_BN, 64), _row_spec(_BN, 64)]
    in_specs += [_full_spec(m) for m in mats]
    return pl.pallas_call(
        _upd_body,
        grid=(grid,),
        in_specs=in_specs,
        out_specs=[_row_spec(_BN, 64), _row_spec(_BN, 64)],
        out_shape=[jax.ShapeDtypeStruct((_N, 64), jnp.float32),
                   jax.ShapeDtypeStruct((_N, 64), jnp.float32)],
    )(agg, cnt, s, vflat, *mats)




def kernel(s, v, params, edge_index):
    p = params
    vflat = v.reshape(_N, 64)
    table = jnp.concatenate([s, vflat], axis=1)
    ii = edge_index[0]
    jj = edge_index[1]

    eI, eJ = _build_gather_sc()(table, ii, jj)

    G = jnp.asarray(_G_NP)
    VLIN = _wb_flat(p['vlin_W'])
    W1a = p['es_W1'][:64]
    W1b = p['es_W1'][64:128]
    W1c = p['es_W1'][128:]
    Wbig = jnp.zeros((256, 128), jnp.float32)
    Wbig = Wbig.at[:64, :64].set(W1a).at[128:192, :64].set(W1b)
    Wbig = Wbig.at[64:128, 64:].set(VLIN[:64]).at[192:, 64:].set(VLIN[64:])
    SW1c = jnp.asarray(_SSUM_NP) @ W1c
    L0 = _kron8(p['ev_l0_W'])
    L1 = _kron8(p['ev_l1_W'])
    A0 = jnp.concatenate([_kron8(p['ev_a0_W1']), _kron8(p['ev_a0_W2'])], 1)
    A1 = jnp.concatenate([_kron8(p['ev_a1_W1']), _kron8(p['ev_a1_W2'])], 1)
    OUT = _wb_flat(p['ev_out_W'])
    PW2R = p['pos_W2'] @ jnp.asarray(_RREP_NP)
    pb2r = (p['pos_b2'] @ jnp.asarray(_RREP_NP)).reshape(1, 64)
    msg_mats = [
        Wbig, SW1c, L0, A0, L1, A1, OUT, p['es_W2'], p['pos_W1'], PW2R, G,
        _bias0(p['vlin_b']), _bias0(p['ev_l0_b']), _bias0(p['ev_l1_b']),
        _bias0(p['ev_out_b']), p['es_b1'].reshape(1, 64),
        p['es_b2'].reshape(1, 64), p['pos_b1'].reshape(1, 64), pb2r,
        p['mn_g'].reshape(1, 64), p['mn_b'].reshape(1, 64),
        jnp.repeat(p['mn_a'], 8).reshape(1, 64),
    ]
    msg = _run_messages(eI, eJ, msg_mats)

    parts = _build_scatter_sc()(
        msg, jj,
        jnp.zeros((_NPAD, 128), jnp.float32),
        jnp.ones((_CH, 128), jnp.float32))

    upd_mats = [
        _kron8(p['uv_rW']), _kron8(p['uv_lW']), _kron8(p['uv_oW']),
        jnp.asarray(_BI_NP), jnp.asarray(_PI_NP), G,
        p['us_W1'], p['us_W2'],
        _bias0(p['uv_rb']), _bias0(p['uv_lb']), _bias0(p['uv_ob']),
        jnp.repeat(p['uv_a'], 8).reshape(1, 64),
        p['us_b1'].reshape(1, 64), p['us_b2'].reshape(1, 64),
        p['un_g'].reshape(1, 64), p['un_b'].reshape(1, 64),
    ]
    s_out, v_out = _run_update(parts[:_N], parts[_NPAD:_NPAD + _N],
                               s, vflat, upd_mats)
    return s_out, v_out.reshape(_N, 8, 8)

# --- scband reference (transcript-rebuilt; emitter-appended) ---
"""Pipeline reference for scband-mvnmpnn-40656160424007 (READ-ONLY COPY).

The authoritative reference and input builder live on the scoring server;
editing this copy changes nothing except your own understanding.
"""

import jax, jax.numpy as jnp
import numpy as np

N = 10000
E = 320000
HS = 64
HV = 8
SUB = np.array([1, 3, 3, 1])


def _build_cayley():
    blades = [0, 1, 2, 4, 3, 5, 6, 7]
    idx = {b: i for i, b in enumerate(blades)}
    c = np.zeros((8, 8, 8), np.float32)
    for i, a in enumerate(blades):
        for k, b in enumerate(blades):
            aa = a >> 1
            sgn = 0
            while aa:
                sgn += bin(aa & b).count('1')
                aa >>= 1
            c[i, idx[a ^ b], k] = -1.0 if sgn % 2 else 1.0
    return c

CAYLEY = jnp.asarray(_build_cayley())


def geometric_product(a, b):
    return jnp.einsum('...ni,ijk,...nk->...nj', a, CAYLEY, b)


def mv_linear(x, W, b=None):
    if W.ndim == 3:
        Wb = jnp.repeat(W, SUB, axis=-1, total_repeat_length=8)
        y = jnp.einsum('bmi,nmi->bni', x, Wb)
    else:
        y = jnp.einsum('bmi,nm->bni', x, W)
    if b is not None:
        y = y.at[..., 0].add(b[None, :])
    return y


def mv_layernorm(x, a, eps=1e-6):
    norm = jnp.sqrt(jnp.sum(x * x, axis=-1, keepdims=True))
    norm = jnp.mean(norm, axis=1, keepdims=True)
    return a[None, :, None] * x / (norm + eps)


def layer_norm(x, g, b, eps=1e-5):
    m = jnp.mean(x, axis=-1, keepdims=True)
    var = jnp.var(x, axis=-1, keepdims=True)
    return (x - m) / jnp.sqrt(var + eps) * g + b


def mv_act(x, W1, W2):
    q = mv_linear(x, W1)
    k = mv_linear(x, W2)
    qk = jnp.sum(q * k, axis=-1)
    ksq = jnp.sum(k * k, axis=-1)
    inv = qk / (ksq + 1e-8)
    gate = jnp.maximum(jnp.sign(qk)[..., None], 0.0)
    return gate * q + (1.0 - gate) * (q - inv[..., None] * k)


def setup_inputs(seed: int = 0):
    key = jax.random.key(seed)
    ks = jax.random.split(key, 40)
    ctr = [0]
    def nxt():
        k = ks[ctr[0]]
        ctr[0] += 1
        return k
    def nrm(shape, scale=0.1):
        return jax.random.normal(nxt(), shape, dtype=jnp.float32) * scale
    s = jax.random.normal(nxt(), (N, HS), dtype=jnp.float32)
    v = jax.random.normal(nxt(), (N, HV, 8), dtype=jnp.float32)
    edge_index = jax.random.randint(nxt(), (2, E), 0, N, dtype=jnp.int32)
    params = {
        'vlin_W': nrm((HV, 2 * HV, 4)), 'vlin_b': nrm((HV,)),
        'ev_l0_W': nrm((HV, HV)), 'ev_l0_b': nrm((HV,)),
        'ev_a0_W1': nrm((HV, HV)), 'ev_a0_W2': nrm((HV, HV)),
        'ev_l1_W': nrm((HV, HV)), 'ev_l1_b': nrm((HV,)),
        'ev_a1_W1': nrm((HV, HV)), 'ev_a1_W2': nrm((HV, HV)),
        'ev_out_W': nrm((HV, HV, 4)), 'ev_out_b': nrm((HV,)),
        'es_W1': nrm((2 * HS + HV, HS)), 'es_b1': nrm((HS,)),
        'es_W2': nrm((HS, HS)), 'es_b2': nrm((HS,)),
        'pos_W1': nrm((HS, HS)), 'pos_b1': nrm((HS,)),
        'pos_W2': nrm((HS, HV * 4)), 'pos_b2': nrm((HV * 4,)),
        'mn_g': jnp.ones((HS,), jnp.float32), 'mn_b': jnp.zeros((HS,), jnp.float32),
        'mn_a': jnp.ones((HV,), jnp.float32),
        'uv_lW': nrm((HV, HV)), 'uv_lb': nrm((HV,)),
        'uv_rW': nrm((HV, HV)), 'uv_rb': nrm((HV,)),
        'uv_oW': nrm((HV, 2 * HV)), 'uv_ob': nrm((HV,)),
        'uv_a': jnp.ones((HV,), jnp.float32),
        'us_W1': nrm((HS, HS)), 'us_b1': nrm((HS,)),
        'us_W2': nrm((HS, HS)), 'us_b2': nrm((HS,)),
        'un_g': jnp.ones((HS,), jnp.float32), 'un_b': jnp.zeros((HS,), jnp.float32),
    }
    return {'s': s, 'v': v, 'params': params, 'edge_index': edge_index}


def _forward(s, v, params, edge_index):
    p = params
    i = edge_index[0]
    j = edge_index[1]
    s_i = jnp.take(s, i, axis=0)
    s_j = jnp.take(s, j, axis=0)
    v_i = jnp.take(v, i, axis=0)
    v_j = jnp.take(v, j, axis=0)
    # message
    v_ij = mv_linear(jnp.concatenate([v_i, v_j], axis=1), p['vlin_W'], p['vlin_b'])
    v_ij_inv = jnp.sum(v_ij * v_ij, axis=-1)
    s_ij = jnp.concatenate([s_i, s_j, v_ij_inv], axis=-1)
    h = mv_linear(v_ij, p['ev_l0_W'], p['ev_l0_b'])
    h = mv_act(h, p['ev_a0_W1'], p['ev_a0_W2'])
    h = mv_linear(h, p['ev_l1_W'], p['ev_l1_b'])
    h = mv_act(h, p['ev_a1_W1'], p['ev_a1_W2'])
    v_mes = mv_linear(h, p['ev_out_W'], p['ev_out_b'])
    s_mes = jax.nn.relu(s_ij @ p['es_W1'] + p['es_b1']) @ p['es_W2'] + p['es_b2']
    pos = jax.nn.relu(s_mes @ p['pos_W1'] + p['pos_b1']) @ p['pos_W2'] + p['pos_b2']
    pos = pos.reshape(pos.shape[0], -1, 4)
    pos8 = jnp.repeat(pos, SUB, axis=-1, total_repeat_length=8)
    v_mes = v_mes * pos8
    # mes_norm (CVPLayerNorm)
    s_mes = layer_norm(s_mes, p['mn_g'], p['mn_b'])
    v_mes = mv_layernorm(v_mes, p['mn_a'])
    # aggregation
    num_messages = jnp.bincount(j, length=N).astype(jnp.float32)[:, None]
    s_agg = jax.ops.segment_sum(s_mes, j, num_segments=N) / jnp.sqrt(num_messages)
    v_agg = jax.ops.segment_sum(v_mes.reshape(v_mes.shape[0], -1), j, num_segments=N)
    v_agg = (v_agg / jnp.sqrt(num_messages)).reshape(N, -1, 8)
    # update_model_v (LinearFullyConnectedGPLayer)
    vr = mv_linear(v_agg, p['uv_rW'], p['uv_rb'])
    vl = mv_linear(v_agg, p['uv_lW'], p['uv_lb'])
    go = geometric_product(vl, vr)
    go = jnp.concatenate([go, v_agg], axis=1)
    v_out = mv_linear(go, p['uv_oW'], p['uv_ob'])
    v_out = mv_layernorm(v_out, p['uv_a'])
    # update_model_s
    s_out = jax.nn.relu(s_agg @ p['us_W1'] + p['us_b1']) @ p['us_W2'] + p['us_b2']
    s_out = layer_norm(s_out, p['un_g'], p['un_b'])
    return (s_out + s, v_out + v)


def reference(s, v, params, edge_index):
    return _forward(s, v, params, edge_index)

if __name__ == "__main__":
    import jax
    _d = setup_inputs()
    print(jax.jit(kernel)(*tuple(_d.values())))

</pallas_src>

<mosaic_0001>
#map = affine_map<(d0, d1) -> (0, 0)>
#map1 = affine_map<(d0, d1) -> (0)>
module attributes {stable_mosaic.version = 14 : i64} {
  func.func @_scatter_sc(%arg0: i32, %arg1: i32, %arg2: memref<320000x128xf32, #tpu.memory_space<hbm>>, %arg3: memref<320000xi32, #tpu.memory_space<hbm>>, %arg4: memref<10240x128xf32, #tpu.memory_space<hbm>>, %arg5: memref<80x128xf32, #tpu.memory_space<hbm>>, %arg6: memref<20480x128xf32, #tpu.memory_space<hbm>>, %arg7: memref<80xi32, #tpu.memory_space<vmem>>, %arg8: memref<80x128xf32, #tpu.memory_space<vmem>>, %arg9: memref<10240x128xf32, #tpu.memory_space<vmem_shared>>, %arg10: memref<!tpu.dma_semaphore, #tpu.memory_space<semaphore_mem>>) attributes {dimension_semantics = [#tpu.dimension_semantics<core_parallel>, #tpu.dimension_semantics<subcore_parallel>], iteration_bounds = array<i64: 2, 16>, scalar_prefetch = 0 : i64, scratch_operands = 4 : i64, tpu.core_type = #tpu.core_type<sc_vector_subcore>, window_params = [{transform_indices = #map}, {transform_indices = #map1}, {transform_indices = #map}, {transform_indices = #map}, {transform_indices = #map}]} {
    %mul3A = arith.constant 640 : i32
    %mul3A_0 = arith.muli %arg1, %mul3A : i32
    "tpu.region"() ({
      %run_scoped3A = tpu.sem_alloc : memref<!tpu.dma_semaphore, #tpu.memory_space<semaphore_mem>>
      %dma_start3A = arith.constant 0 : i32
      %dma_start3A_13 = tpu.memref_slice %arg9[%mul3A_0, %dma_start3A] : memref<10240x128xf32, #tpu.memory_space<vmem_shared>> -> memref<640x128xf32, #tpu.memory_space<vmem_shared>>
      %dma_start3A_14 = arith.constant 0 : i32
      %dma_start3A_15 = tpu.memref_slice %arg4[%mul3A_0, %dma_start3A_14] : memref<10240x128xf32, #tpu.memory_space<hbm>> -> memref<640x128xf32, #tpu.memory_space<hbm>>
      tpu.enqueue_dma source(%dma_start3A_15 : memref<640x128xf32, #tpu.memory_space<hbm>>) target(%dma_start3A_13 : memref<640x128xf32, #tpu.memory_space<vmem_shared>>) target_semaphore(%run_scoped3A : memref<!tpu.dma_semaphore, #tpu.memory_space<semaphore_mem>>)
      %dma_wait3A = arith.constant 0 : i32
      %dma_wait3A_16 = tpu.memref_slice %arg9[%mul3A_0, %dma_wait3A] : memref<10240x128xf32, #tpu.memory_space<vmem_shared>> -> memref<640x128xf32, #tpu.memory_space<vmem_shared>>
      %dma_wait3A_17 = arith.constant 0 : i32
      %dma_wait3A_18 = tpu.memref_slice %arg4[%mul3A_0, %dma_wait3A_17] : memref<10240x128xf32, #tpu.memory_space<hbm>> -> memref<640x128xf32, #tpu.memory_space<hbm>>
      tpu.wait_dma2 semaphore(%run_scoped3A : memref<!tpu.dma_semaphore, #tpu.memory_space<semaphore_mem>>) src(%dma_wait3A_18 : memref<640x128xf32, #tpu.memory_space<hbm>>) dst(%dma_wait3A_16 : memref<640x128xf32, #tpu.memory_space<vmem_shared>>)
      tpu.yield
    }) : () -> ()
    %barrier3A = arith.constant 0 : index
    tpu.barrier barrier_id(%barrier3A)
    %mul3A_1 = arith.constant 20000 : i32
    %mul3A_2 = arith.muli %arg1, %mul3A_1 : i32
    %eq3A = arith.constant 0 : i32
    %eq3A_3 = arith.cmpi eq, %arg0, %eq3A : i32
    %convert_element_type3A = arith.extui %eq3A_3 : i1 to i32
    %cond3A = arith.constant 0 : i32
    %cond3A_4 = arith.cmpi ne, %convert_element_type3A, %cond3A : i32
    scf.if %cond3A_4 {
      %scan3A = arith.constant 0 : i32
      %scan3A_13 = arith.constant 0 : i32
      %scan3A_14 = arith.constant 250 : i32
      %scan3A_15 = arith.addi %scan3A_13, %scan3A_14 : i32
      %scan3A_16 = arith.constant 1 : i32
      scf.for %scan3A_18 = %scan3A_13 to %scan3A_15 step %scan3A_16  : i32 {
        %mul3A_19 = arith.constant 80 : i32
        %mul3A_20 = arith.muli %scan3A_18, %mul3A_19 : i32
        %add3A_21 = arith.addi %mul3A_2, %mul3A_20 : i32
        "tpu.region"() ({
          %run_scoped3A = tpu.sem_alloc : memref<!tpu.dma_semaphore, #tpu.memory_space<semaphore_mem>>
          %dma_start3A = tpu.memref_slice %arg3[%add3A_21] : memref<320000xi32, #tpu.memory_space<hbm>> -> memref<80xi32, #tpu.memory_space<hbm>>
          %dma_start3A_22 = tpu.memref_slice %arg3[%add3A_21] : memref<320000xi32, #tpu.memory_space<hbm>> -> memref<80xi32, #tpu.memory_space<hbm>>
          tpu.enqueue_dma source(%dma_start3A_22 : memref<80xi32, #tpu.memory_space<hbm>>) target(%arg7 : memref<80xi32, #tpu.memory_space<vmem>>) target_semaphore(%run_scoped3A : memref<!tpu.dma_semaphore, #tpu.memory_space<semaphore_mem>>)
          %dma_wait3A = tpu.memref_slice %arg3[%add3A_21] : memref<320000xi32, #tpu.memory_space<hbm>> -> memref<80xi32, #tpu.memory_space<hbm>>
          %dma_wait3A_23 = tpu.memref_slice %arg3[%add3A_21] : memref<320000xi32, #tpu.memory_space<hbm>> -> memref<80xi32, #tpu.memory_space<hbm>>
          tpu.wait_dma2 semaphore(%run_scoped3A : memref<!tpu.dma_semaphore, #tpu.memory_space<semaphore_mem>>) src(%dma_wait3A_23 : memref<80xi32, #tpu.memory_space<hbm>>) dst(%arg7 : memref<80xi32, #tpu.memory_space<vmem>>)
          tpu.yield
        }) : () -> ()
        "tpu.region"() ({
          %run_scoped3A = tpu.sem_alloc : memref<!tpu.dma_semaphore, #tpu.memory_space<semaphore_mem>>
          %dma_start3A = arith.constant 0 : i32
          %dma_start3A_22 = tpu.memref_slice %arg2[%add3A_21, %dma_start3A] : memref<320000x128xf32, #tpu.memory_space<hbm>> -> memref<80x128xf32, #tpu.memory_space<hbm>>
          %dma_start3A_23 = arith.constant 0 : i32
          %dma_start3A_24 = tpu.memref_slice %arg2[%add3A_21, %dma_start3A_23] : memref<320000x128xf32, #tpu.memory_space<hbm>> -> memref<80x128xf32, #tpu.memory_space<hbm>>
          tpu.enqueue_dma source(%dma_start3A_24 : memref<80x128xf32, #tpu.memory_space<hbm>>) target(%arg8 : memref<80x128xf32, #tpu.memory_space<vmem>>) target_semaphore(%run_scoped3A : memref<!tpu.dma_semaphore, #tpu.memory_space<semaphore_mem>>)
          %dma_wait3A = arith.constant 0 : i32
          %dma_wait3A_25 = tpu.memref_slice %arg2[%add3A_21, %dma_wait3A] : memref<320000x128xf32, #tpu.memory_space<hbm>> -> memref<80x128xf32, #tpu.memory_space<hbm>>
          %dma_wait3A_26 = arith.constant 0 : i32
          %dma_wait3A_27 = tpu.memref_slice %arg2[%add3A_21, %dma_wait3A_26] : memref<320000x128xf32, #tpu.memory_space<hbm>> -> memref<80x128xf32, #tpu.memory_space<hbm>>
          tpu.wait_dma2 semaphore(%run_scoped3A : memref<!tpu.dma_semaphore, #tpu.memory_space<semaphore_mem>>) src(%dma_wait3A_27 : memref<80x128xf32, #tpu.memory_space<hbm>>) dst(%arg8 : memref<80x128xf32, #tpu.memory_space<vmem>>)
          tpu.yield
        }) : () -> ()
        "tpu.region"() ({
          %run_scoped3A = tpu.sem_alloc : memref<!tpu.dma_semaphore, #tpu.memory_space<semaphore_mem>>
          %dma_start3A = arith.constant 0 : i32
          %dma_start3A_22 = arith.constant 0 : i32
          %dma_start3A_23 = tpu.memref_slice %arg9[%dma_start3A, %dma_start3A_22] : memref<10240x128xf32, #tpu.memory_space<vmem_shared>> -> memref<10240x128xf32, #tpu.memory_space<vmem_shared>>
          tpu.enqueue_indirect_dma source(%arg8 : memref<80x128xf32, #tpu.memory_space<vmem>>) target(%dma_start3A_23 : memref<10240x128xf32, #tpu.memory_space<vmem_shared>>) offsets(%arg7 : memref<80xi32, #tpu.memory_space<vmem>>) semaphore(%run_scoped3A : memref<!tpu.dma_semaphore, #tpu.memory_space<semaphore_mem>>) {add = true}
          %dma_wait3A = arith.constant 0 : i32
          %dma_wait3A_24 = arith.constant 0 : i32
          %dma_wait3A_25 = tpu.memref_slice %arg9[%dma_wait3A, %dma_wait3A_24] : memref<10240x128xf32, #tpu.memory_space<vmem_shared>> -> memref<10240x128xf32, #tpu.memory_space<vmem_shared>>
          tpu.wait_indirect_dma semaphore(%run_scoped3A : memref<!tpu.dma_semaphore, #tpu.memory_space<semaphore_mem>>) src(%arg8 : memref<80x128xf32, #tpu.memory_space<vmem>>) dst(%dma_wait3A_25 : memref<10240x128xf32, #tpu.memory_space<vmem_shared>>)
          tpu.yield
        }) : () -> ()
      }
      %scan3A_17 = arith.constant 250 : i32
    } else {
    }
    %eq3A_5 = arith.constant 1 : i32
    %eq3A_6 = arith.cmpi eq, %arg0, %eq3A_5 : i32
    %convert_element_type3A_7 = arith.extui %eq3A_6 : i1 to i32
    %cond3A_8 = arith.constant 0 : i32
    %cond3A_9 = arith.cmpi ne, %convert_element_type3A_7, %cond3A_8 : i32
    scf.if %cond3A_9 {
      "tpu.region"() ({
        %run_scoped3A = tpu.sem_alloc : memref<!tpu.dma_semaphore, #tpu.memory_space<semaphore_mem>>
        tpu.enqueue_dma source(%arg5 : memref<80x128xf32, #tpu.memory_space<hbm>>) target(%arg8 : memref<80x128xf32, #tpu.memory_space<vmem>>) target_semaphore(%run_scoped3A : memref<!tpu.dma_semaphore, #tpu.memory_space<semaphore_mem>>)
        tpu.wait_dma2 semaphore(%run_scoped3A : memref<!tpu.dma_semaphore, #tpu.memory_space<semaphore_mem>>) src(%arg5 : memref<80x128xf32, #tpu.memory_space<hbm>>) dst(%arg8 : memref<80x128xf32, #tpu.memory_space<vmem>>)
        tpu.yield
      }) : () -> ()
      %scan3A = arith.constant 0 : i32
      %scan3A_13 = arith.constant 0 : i32
      %scan3A_14 = arith.constant 250 : i32
      %scan3A_15 = arith.addi %scan3A_13, %scan3A_14 : i32
      %scan3A_16 = arith.constant 1 : i32
      scf.for %scan3A_18 = %scan3A_13 to %scan3A_15 step %scan3A_16  : i32 {
        %mul3A_19 = arith.constant 80 : i32
        %mul3A_20 = arith.muli %scan3A_18, %mul3A_19 : i32
        %add3A_21 = arith.addi %mul3A_2, %mul3A_20 : i32
        "tpu.region"() ({
          %run_scoped3A = tpu.sem_alloc : memref<!tpu.dma_semaphore, #tpu.memory_space<semaphore_mem>>
          %dma_start3A = tpu.memref_slice %arg3[%add3A_21] : memref<320000xi32, #tpu.memory_space<hbm>> -> memref<80xi32, #tpu.memory_space<hbm>>
          %dma_start3A_22 = tpu.memref_slice %arg3[%add3A_21] : memref<320000xi32, #tpu.memory_space<hbm>> -> memref<80xi32, #tpu.memory_space<hbm>>
          tpu.enqueue_dma source(%dma_start3A_22 : memref<80xi32, #tpu.memory_space<hbm>>) target(%arg7 : memref<80xi32, #tpu.memory_space<vmem>>) target_semaphore(%run_scoped3A : memref<!tpu.dma_semaphore, #tpu.memory_space<semaphore_mem>>)
          %dma_wait3A = tpu.memref_slice %arg3[%add3A_21] : memref<320000xi32, #tpu.memory_space<hbm>> -> memref<80xi32, #tpu.memory_space<hbm>>
          %dma_wait3A_23 = tpu.memref_slice %arg3[%add3A_21] : memref<320000xi32, #tpu.memory_space<hbm>> -> memref<80xi32, #tpu.memory_space<hbm>>
          tpu.wait_dma2 semaphore(%run_scoped3A : memref<!tpu.dma_semaphore, #tpu.memory_space<semaphore_mem>>) src(%dma_wait3A_23 : memref<80xi32, #tpu.memory_space<hbm>>) dst(%arg7 : memref<80xi32, #tpu.memory_space<vmem>>)
          tpu.yield
        }) : () -> ()
        "tpu.region"() ({
          %run_scoped3A = tpu.sem_alloc : memref<!tpu.dma_semaphore, #tpu.memory_space<semaphore_mem>>
          %dma_start3A = arith.constant 0 : i32
          %dma_start3A_22 = arith.constant 0 : i32
          %dma_start3A_23 = tpu.memref_slice %arg9[%dma_start3A, %dma_start3A_22] : memref<10240x128xf32, #tpu.memory_space<vmem_shared>> -> memref<10240x128xf32, #tpu.memory_space<vmem_shared>>
          tpu.enqueue_indirect_dma source(%arg8 : memref<80x128xf32, #tpu.memory_space<vmem>>) target(%dma_start3A_23 : memref<10240x128xf32, #tpu.memory_space<vmem_shared>>) offsets(%arg7 : memref<80xi32, #tpu.memory_space<vmem>>) semaphore(%run_scoped3A : memref<!tpu.dma_semaphore, #tpu.memory_space<semaphore_mem>>) {add = true}
          %dma_wait3A = arith.constant 0 : i32
          %dma_wait3A_24 = arith.constant 0 : i32
          %dma_wait3A_25 = tpu.memref_slice %arg9[%dma_wait3A, %dma_wait3A_24] : memref<10240x128xf32, #tpu.memory_space<vmem_shared>> -> memref<10240x128xf32, #tpu.memory_space<vmem_shared>>
          tpu.wait_indirect_dma semaphore(%run_scoped3A : memref<!tpu.dma_semaphore, #tpu.memory_space<semaphore_mem>>) src(%arg8 : memref<80x128xf32, #tpu.memory_space<vmem>>) dst(%dma_wait3A_25 : memref<10240x128xf32, #tpu.memory_space<vmem_shared>>)
          tpu.yield
        }) : () -> ()
      }
      %scan3A_17 = arith.constant 250 : i32
    } else {
    }
    %barrier3A_10 = arith.constant 0 : index
    tpu.barrier barrier_id(%barrier3A_10)
    %mul3A_11 = arith.constant 10240 : i32
    %mul3A_12 = arith.muli %arg0, %mul3A_11 : i32
    %add3A = arith.addi %mul3A_12, %mul3A_0 : i32
    "tpu.region"() ({
      %run_scoped3A = tpu.sem_alloc : memref<!tpu.dma_semaphore, #tpu.memory_space<semaphore_mem>>
      %dma_start3A = arith.constant 0 : i32
      %dma_start3A_13 = tpu.memref_slice %arg6[%add3A, %dma_start3A] : memref<20480x128xf32, #tpu.memory_space<hbm>> -> memref<640x128xf32, #tpu.memory_space<hbm>>
      %dma_start3A_14 = arith.constant 0 : i32
      %dma_start3A_15 = tpu.memref_slice %arg9[%mul3A_0, %dma_start3A_14] : memref<10240x128xf32, #tpu.memory_space<vmem_shared>> -> memref<640x128xf32, #tpu.memory_space<vmem_shared>>
      tpu.enqueue_dma source(%dma_start3A_15 : memref<640x128xf32, #tpu.memory_space<vmem_shared>>) target(%dma_start3A_13 : memref<640x128xf32, #tpu.memory_space<hbm>>) target_semaphore(%run_scoped3A : memref<!tpu.dma_semaphore, #tpu.memory_space<semaphore_mem>>)
      %dma_wait3A = arith.constant 0 : i32
      %dma_wait3A_16 = tpu.memref_slice %arg6[%add3A, %dma_wait3A] : memref<20480x128xf32, #tpu.memory_space<hbm>> -> memref<640x128xf32, #tpu.memory_space<hbm>>
      %dma_wait3A_17 = arith.constant 0 : i32
      %dma_wait3A_18 = tpu.memref_slice %arg9[%mul3A_0, %dma_wait3A_17] : memref<10240x128xf32, #tpu.memory_space<vmem_shared>> -> memref<640x128xf32, #tpu.memory_space<vmem_shared>>
      tpu.wait_dma2 semaphore(%run_scoped3A : memref<!tpu.dma_semaphore, #tpu.memory_space<semaphore_mem>>) src(%dma_wait3A_18 : memref<640x128xf32, #tpu.memory_space<vmem_shared>>) dst(%dma_wait3A_16 : memref<640x128xf32, #tpu.memory_space<hbm>>)
      tpu.yield
    }) : () -> ()
    return
  }
}

#map = affine_map<(d0, d1) -> (0, 0)>
#map1 = affine_map<(d0, d1) -> (0)>
module attributes {stable_mosaic.version = 14 : i64} {
  func.func @_gather_sc(%arg0: i32, %arg1: i32, %arg2: memref<10000x128xf32, #tpu.memory_space<hbm>>, %arg3: memref<320000xi32, #tpu.memory_space<hbm>>, %arg4: memref<320000xi32, #tpu.memory_space<hbm>>, %arg5: memref<320000x128xf32, #tpu.memory_space<hbm>>, %arg6: memref<320000x128xf32, #tpu.memory_space<hbm>>, %arg7: memref<80xi32, #tpu.memory_space<vmem>>, %arg8: memref<80xi32, #tpu.memory_space<vmem>>, %arg9: memref<80x128xf32, #tpu.memory_space<vmem>>, %arg10: memref<80x128xf32, #tpu.memory_space<vmem>>, %arg11: memref<!tpu.dma_semaphore, #tpu.memory_space<semaphore_mem>>, %arg12: memref<!tpu.dma_semaphore, #tpu.memory_space<semaphore_mem>>) attributes {dimension_semantics = [#tpu.dimension_semantics<core_parallel>, #tpu.dimension_semantics<subcore_parallel>], iteration_bounds = array<i64: 2, 16>, scalar_prefetch = 0 : i64, scratch_operands = 6 : i64, tpu.core_type = #tpu.core_type<sc_vector_subcore>, window_params = [{transform_indices = #map}, {transform_indices = #map1}, {transform_indices = #map1}, {transform_indices = #map}, {transform_indices = #map}]} {
    %mul3A = arith.constant 16 : i32
    %mul3A_0 = arith.muli %arg0, %mul3A : i32
    %add3A = arith.addi %mul3A_0, %arg1 : i32
    %mul3A_1 = arith.constant 10000 : i32
    %mul3A_2 = arith.muli %add3A, %mul3A_1 : i32
    %scan3A = arith.constant 0 : i32
    %scan3A_3 = arith.constant 0 : i32
    %scan3A_4 = arith.constant 125 : i32
    %scan3A_5 = arith.addi %scan3A_3, %scan3A_4 : i32
    %scan3A_6 = arith.constant 1 : i32
    scf.for %scan3A_8 = %scan3A_3 to %scan3A_5 step %scan3A_6  : i32 {
      %mul3A_9 = arith.constant 80 : i32
      %mul3A_10 = arith.muli %scan3A_8, %mul3A_9 : i32
      %add3A_11 = arith.addi %mul3A_2, %mul3A_10 : i32
      "tpu.region"() ({
        %run_scoped3A = tpu.sem_alloc : memref<!tpu.dma_semaphore, #tpu.memory_space<semaphore_mem>>
        %dma_start3A_22 = tpu.memref_slice %arg3[%add3A_11] : memref<320000xi32, #tpu.memory_space<hbm>> -> memref<80xi32, #tpu.memory_space<hbm>>
        %dma_start3A_23 = tpu.memref_slice %arg3[%add3A_11] : memref<320000xi32, #tpu.memory_space<hbm>> -> memref<80xi32, #tpu.memory_space<hbm>>
        tpu.enqueue_dma source(%dma_start3A_23 : memref<80xi32, #tpu.memory_space<hbm>>) target(%arg7 : memref<80xi32, #tpu.memory_space<vmem>>) target_semaphore(%run_scoped3A : memref<!tpu.dma_semaphore, #tpu.memory_space<semaphore_mem>>)
        %dma_wait3A_24 = tpu.memref_slice %arg3[%add3A_11] : memref<320000xi32, #tpu.memory_space<hbm>> -> memref<80xi32, #tpu.memory_space<hbm>>
        %dma_wait3A_25 = tpu.memref_slice %arg3[%add3A_11] : memref<320000xi32, #tpu.memory_space<hbm>> -> memref<80xi32, #tpu.memory_space<hbm>>
        tpu.wait_dma2 semaphore(%run_scoped3A : memref<!tpu.dma_semaphore, #tpu.memory_space<semaphore_mem>>) src(%dma_wait3A_25 : memref<80xi32, #tpu.memory_space<hbm>>) dst(%arg7 : memref<80xi32, #tpu.memory_space<vmem>>)
        tpu.yield
      }) : () -> ()
      "tpu.region"() ({
        %run_scoped3A = tpu.sem_alloc : memref<!tpu.dma_semaphore, #tpu.memory_space<semaphore_mem>>
        %dma_start3A_22 = tpu.memref_slice %arg4[%add3A_11] : memref<320000xi32, #tpu.memory_space<hbm>> -> memref<80xi32, #tpu.memory_space<hbm>>
        %dma_start3A_23 = tpu.memref_slice %arg4[%add3A_11] : memref<320000xi32, #tpu.memory_space<hbm>> -> memref<80xi32, #tpu.memory_space<hbm>>
        tpu.enqueue_dma source(%dma_start3A_23 : memref<80xi32, #tpu.memory_space<hbm>>) target(%arg8 : memref<80xi32, #tpu.memory_space<vmem>>) target_semaphore(%run_scoped3A : memref<!tpu.dma_semaphore, #tpu.memory_space<semaphore_mem>>)
        %dma_wait3A_24 = tpu.memref_slice %arg4[%add3A_11] : memref<320000xi32, #tpu.memory_space<hbm>> -> memref<80xi32, #tpu.memory_space<hbm>>
        %dma_wait3A_25 = tpu.memref_slice %arg4[%add3A_11] : memref<320000xi32, #tpu.memory_space<hbm>> -> memref<80xi32, #tpu.memory_space<hbm>>
        tpu.wait_dma2 semaphore(%run_scoped3A : memref<!tpu.dma_semaphore, #tpu.memory_space<semaphore_mem>>) src(%dma_wait3A_25 : memref<80xi32, #tpu.memory_space<hbm>>) dst(%arg8 : memref<80xi32, #tpu.memory_space<vmem>>)
        tpu.yield
      }) : () -> ()
      %dma_start3A = arith.constant 0 : i32
      %dma_start3A_12 = arith.constant 0 : i32
      %dma_start3A_13 = tpu.memref_slice %arg2[%dma_start3A, %dma_start3A_12] : memref<10000x128xf32, #tpu.memory_space<hbm>> -> memref<10000x128xf32, #tpu.memory_space<hbm>>
      tpu.enqueue_indirect_dma source(%dma_start3A_13 : memref<10000x128xf32, #tpu.memory_space<hbm>>) target(%arg9 : memref<80x128xf32, #tpu.memory_space<vmem>>) offsets(%arg7 : memref<80xi32, #tpu.memory_space<vmem>>) semaphore(%arg11 : memref<!tpu.dma_semaphore, #tpu.memory_space<semaphore_mem>>)
      %dma_start3A_14 = arith.constant 0 : i32
      %dma_start3A_15 = arith.constant 0 : i32
      %dma_start3A_16 = tpu.memref_slice %arg2[%dma_start3A_14, %dma_start3A_15] : memref<10000x128xf32, #tpu.memory_space<hbm>> -> memref<10000x128xf32, #tpu.memory_space<hbm>>
      tpu.enqueue_indirect_dma source(%dma_start3A_16 : memref<10000x128xf32, #tpu.memory_space<hbm>>) target(%arg10 : memref<80x128xf32, #tpu.memory_space<vmem>>) offsets(%arg8 : memref<80xi32, #tpu.memory_space<vmem>>) semaphore(%arg12 : memref<!tpu.dma_semaphore, #tpu.memory_space<semaphore_mem>>)
      %dma_wait3A = arith.constant 0 : i32
      %dma_wait3A_17 = arith.constant 0 : i32
      %dma_wait3A_18 = tpu.memref_slice %arg2[%dma_wait3A, %dma_wait3A_17] : memref<10000x128xf32, #tpu.memory_space<hbm>> -> memref<10000x128xf32, #tpu.memory_space<hbm>>
      tpu.wait_indirect_dma semaphore(%arg11 : memref<!tpu.dma_semaphore, #tpu.memory_space<semaphore_mem>>) src(%dma_wait3A_18 : memref<10000x128xf32, #tpu.memory_space<hbm>>) dst(%arg9 : memref<80x128xf32, #tpu.memory_space<vmem>>)
      "tpu.region"() ({
        %run_scoped3A = tpu.sem_alloc : memref<!tpu.dma_semaphore, #tpu.memory_space<semaphore_mem>>
        %dma_start3A_22 = arith.constant 0 : i32
        %dma_start3A_23 = tpu.memref_slice %arg5[%add3A_11, %dma_start3A_22] : memref<320000x128xf32, #tpu.memory_space<hbm>> -> memref<80x128xf32, #tpu.memory_space<hbm>>
        %dma_start3A_24 = arith.constant 0 : i32
        %dma_start3A_25 = tpu.memref_slice %arg5[%add3A_11, %dma_start3A_24] : memref<320000x128xf32, #tpu.memory_space<hbm>> -> memref<80x128xf32, #tpu.memory_space<hbm>>
        tpu.enqueue_dma source(%arg9 : memref<80x128xf32, #tpu.memory_space<vmem>>) target(%dma_start3A_25 : memref<80x128xf32, #tpu.memory_space<hbm>>) target_semaphore(%run_scoped3A : memref<!tpu.dma_semaphore, #tpu.memory_space<semaphore_mem>>)
        %dma_wait3A_26 = arith.constant 0 : i32
        %dma_wait3A_27 = tpu.memref_slice %arg5[%add3A_11, %dma_wait3A_26] : memref<320000x128xf32, #tpu.memory_space<hbm>> -> memref<80x128xf32, #tpu.memory_space<hbm>>
        %dma_wait3A_28 = arith.constant 0 : i32
        %dma_wait3A_29 = tpu.memref_slice %arg5[%add3A_11, %dma_wait3A_28] : memref<320000x128xf32, #tpu.memory_space<hbm>> -> memref<80x128xf32, #tpu.memory_space<hbm>>
        tpu.wait_dma2 semaphore(%run_scoped3A : memref<!tpu.dma_semaphore, #tpu.memory_space<semaphore_mem>>) src(%arg9 : memref<80x128xf32, #tpu.memory_space<vmem>>) dst(%dma_wait3A_29 : memref<80x128xf32, #tpu.memory_space<hbm>>)
        tpu.yield
      }) : () -> ()
      %dma_wait3A_19 = arith.constant 0 : i32
      %dma_wait3A_20 = arith.constant 0 : i32
      %dma_wait3A_21 = tpu.memref_slice %arg2[%dma_wait3A_19, %dma_wait3A_20] : memref<10000x128xf32, #tpu.memory_space<hbm>> -> memref<10000x128xf32, #tpu.memory_space<hbm>>
      tpu.wait_indirect_dma semaphore(%arg12 : memref<!tpu.dma_semaphore, #tpu.memory_space<semaphore_mem>>) src(%dma_wait3A_21 : memref<10000x128xf32, #tpu.memory_space<hbm>>) dst(%arg10 : memref<80x128xf32, #tpu.memory_space<vmem>>)
      "tpu.region"() ({
        %run_scoped3A = tpu.sem_alloc : memref<!tpu.dma_semaphore, #tpu.memory_space<semaphore_mem>>
        %dma_start3A_22 = arith.constant 0 : i32
        %dma_start3A_23 = tpu.memref_slice %arg6[%add3A_11, %dma_start3A_22] : memref<320000x128xf32, #tpu.memory_space<hbm>> -> memref<80x128xf32, #tpu.memory_space<hbm>>
        %dma_start3A_24 = arith.constant 0 : i32
        %dma_start3A_25 = tpu.memref_slice %arg6[%add3A_11, %dma_start3A_24] : memref<320000x128xf32, #tpu.memory_space<hbm>> -> memref<80x128xf32, #tpu.memory_space<hbm>>
        tpu.enqueue_dma source(%arg10 : memref<80x128xf32, #tpu.memory_space<vmem>>) target(%dma_start3A_25 : memref<80x128xf32, #tpu.memory_space<hbm>>) target_semaphore(%run_scoped3A : memref<!tpu.dma_semaphore, #tpu.memory_space<semaphore_mem>>)
        %dma_wait3A_26 = arith.constant 0 : i32
        %dma_wait3A_27 = tpu.memref_slice %arg6[%add3A_11, %dma_wait3A_26] : memref<320000x128xf32, #tpu.memory_space<hbm>> -> memref<80x128xf32, #tpu.memory_space<hbm>>
        %dma_wait3A_28 = arith.constant 0 : i32
        %dma_wait3A_29 = tpu.memref_slice %arg6[%add3A_11, %dma_wait3A_28] : memref<320000x128xf32, #tpu.memory_space<hbm>> -> memref<80x128xf32, #tpu.memory_space<hbm>>
        tpu.wait_dma2 semaphore(%run_scoped3A : memref<!tpu.dma_semaphore, #tpu.memory_space<semaphore_mem>>) src(%arg10 : memref<80x128xf32, #tpu.memory_space<vmem>>) dst(%dma_wait3A_29 : memref<80x128xf32, #tpu.memory_space<hbm>>)
        tpu.yield
      }) : () -> ()
    }
    %scan3A_7 = arith.constant 125 : i32
    return
  }
}

module attributes {stable_mosaic.version = 14 : i64} {
  func.func @_msg_body(%arg0: i32, %arg1: memref<2000x128xf32, #tpu.memory_space<vmem>>, %arg2: memref<2000x128xf32, #tpu.memory_space<vmem>>, %arg3: memref<256x128xf32, #tpu.memory_space<vmem>>, %arg4: memref<64x64xf32, #tpu.memory_space<vmem>>, %arg5: memref<64x64xf32, #tpu.memory_space<vmem>>, %arg6: memref<64x128xf32, #tpu.memory_space<vmem>>, %arg7: memref<64x64xf32, #tpu.memory_space<vmem>>, %arg8: memref<64x128xf32, #tpu.memory_space<vmem>>, %arg9: memref<64x64xf32, #tpu.memory_space<vmem>>, %arg10: memref<64x64xf32, #tpu.memory_space<vmem>>, %arg11: memref<64x64xf32, #tpu.memory_space<vmem>>, %arg12: memref<64x64xf32, #tpu.memory_space<vmem>>, %arg13: memref<64x64xf32, #tpu.memory_space<vmem>>, %arg14: memref<1x64xf32, #tpu.memory_space<vmem>>, %arg15: memref<1x64xf32, #tpu.memory_space<vmem>>, %arg16: memref<1x64xf32, #tpu.memory_space<vmem>>, %arg17: memref<1x64xf32, #tpu.memory_space<vmem>>, %arg18: memref<1x64xf32, #tpu.memory_space<vmem>>, %arg19: memref<1x64xf32, #tpu.memory_space<vmem>>, %arg20: memref<1x64xf32, #tpu.memory_space<vmem>>, %arg21: memref<1x64xf32, #tpu.memory_space<vmem>>, %arg22: memref<1x64xf32, #tpu.memory_space<vmem>>, %arg23: memref<1x64xf32, #tpu.memory_space<vmem>>, %arg24: memref<1x64xf32, #tpu.memory_space<vmem>>, %arg25: memref<2000x128xf32, #tpu.memory_space<vmem>>) attributes {dimension_semantics = [#tpu.dimension_semantics<arbitrary>], iteration_bounds = array<i64: 160>, scalar_prefetch = 0 : i64, scratch_operands = 0 : i64, tpu.core_type = #tpu.core_type<tc>, window_params = [{transform_indices = @transform_0, window_bounds = array<i64: 2000, 128>}, {transform_indices = @transform_1, window_bounds = array<i64: 2000, 128>}, {pipeline_mode = #tpu.pipeline_mode<synchronous>, transform_indices = @transform_2, window_bounds = array<i64: 256, 128>}, {pipeline_mode = #tpu.pipeline_mode<synchronous>, transform_indices = @transform_3, window_bounds = array<i64: 64, 64>}, {pipeline_mode = #tpu.pipeline_mode<synchronous>, transform_indices = @transform_4, window_bounds = array<i64: 64, 64>}, {pipeline_mode = #tpu.pipeline_mode<synchronous>, transform_indices = @transform_5, window_bounds = array<i64: 64, 128>}, {pipeline_mode = #tpu.pipeline_mode<synchronous>, transform_indices = @transform_6, window_bounds = array<i64: 64, 64>}, {pipeline_mode = #tpu.pipeline_mode<synchronous>, transform_indices = @transform_7, window_bounds = array<i64: 64, 128>}, {pipeline_mode = #tpu.pipeline_mode<synchronous>, transform_indices = @transform_8, window_bounds = array<i64: 64, 64>}, {pipeline_mode = #tpu.pipeline_mode<synchronous>, transform_indices = @transform_9, window_bounds = array<i64: 64, 64>}, {pipeline_mode = #tpu.pipeline_mode<synchronous>, transform_indices = @transform_10, window_bounds = array<i64: 64, 64>}, {pipeline_mode = #tpu.pipeline_mode<synchronous>, transform_indices = @transform_11, window_bounds = array<i64: 64, 64>}, {pipeline_mode = #tpu.pipeline_mode<synchronous>, transform_indices = @transform_12, window_bounds = array<i64: 64, 64>}, {pipeline_mode = #tpu.pipeline_mode<synchronous>, transform_indices = @transform_13, window_bounds = array<i64: 1, 64>}, {pipeline_mode = #tpu.pipeline_mode<synchronous>, transform_indices = @transform_14, window_bounds = array<i64: 1, 64>}, {pipeline_mode = #tpu.pipeline_mode<synchronous>, transform_indices = @transform_15, window_bounds = array<i64: 1, 64>}, {pipeline_mode = #tpu.pipeline_mode<synchronous>, transform_indices = @transform_16, window_bounds = array<i64: 1, 64>}, {pipeline_mode = #tpu.pipeline_mode<synchronous>, transform_indices = @transform_17, window_bounds = array<i64: 1, 64>}, {pipeline_mode = #tpu.pipeline_mode<synchronous>, transform_indices = @transform_18, window_bounds = array<i64: 1, 64>}, {pipeline_mode = #tpu.pipeline_mode<synchronous>, transform_indices = @transform_19, window_bounds = array<i64: 1, 64>}, {pipeline_mode = #tpu.pipeline_mode<synchronous>, transform_indices = @transform_20, window_bounds = array<i64: 1, 64>}, {pipeline_mode = #tpu.pipeline_mode<synchronous>, transform_indices = @transform_21, window_bounds = array<i64: 1, 64>}, {pipeline_mode = #tpu.pipeline_mode<synchronous>, transform_indices = @transform_22, window_bounds = array<i64: 1, 64>}, {pipeline_mode = #tpu.pipeline_mode<synchronous>, transform_indices = @transform_23, window_bounds = array<i64: 1, 64>}, {transform_indices = @transform_24, window_bounds = array<i64: 2000, 128>}]} {
    %get3A = arith.constant 0 : index
    %get3A_0 = arith.constant 0 : index
    %get3A_1 = vector.load %arg13[%get3A, %get3A_0] : memref<64x64xf32, #tpu.memory_space<vmem>>, vector<64x64xf32>
    %get3A_2 = arith.constant 0 : index
    %get3A_3 = arith.constant 0 : index
    %get3A_4 = vector.load %arg1[%get3A_2, %get3A_3] : memref<2000x128xf32, #tpu.memory_space<vmem>>, vector<2000x128xf32>
    %get3A_5 = arith.constant 0 : index
    %get3A_6 = arith.constant 0 : index
    %get3A_7 = vector.load %arg2[%get3A_5, %get3A_6] : memref<2000x128xf32, #tpu.memory_space<vmem>>, vector<2000x128xf32>
    %concatenate3A = tpu.concatenate %get3A_4, %get3A_7 in 1 : vector<2000x128xf32>, vector<2000x128xf32> -> vector<2000x256xf32>
    %get3A_8 = arith.constant 0 : index
    %get3A_9 = arith.constant 0 : index
    %get3A_10 = vector.load %arg3[%get3A_8, %get3A_9] : memref<256x128xf32, #tpu.memory_space<vmem>>, vector<256x128xf32>
    %dot_general3A = arith.constant dense<0.000000e+00> : vector<2000x128xf32>
    %dot_general3A_11 = tpu.matmul %concatenate3A, %get3A_10, %dot_general3A {dimension_numbers = #tpu.dot_dimension_numbers<[1], [0], [0], [1], [0, 0, 1, 1], [], []>, transpose_lhs_hint = false} : vector<2000x256xf32>, vector<256x128xf32>, vector<2000x128xf32> -> vector<2000x128xf32>
    %slice3A = vector.extract_strided_slice %dot_general3A_11 {offsets = [0, 64], sizes = [2000, 64], strides = [1, 1]} : vector<2000x128xf32> to vector<2000x64xf32>
    %get3A_12 = arith.constant 0 : index
    %get3A_13 = arith.constant 0 : index
    %get3A_14 = vector.load %arg14[%get3A_12, %get3A_13] : memref<1x64xf32, #tpu.memory_space<vmem>>, vector<1x64xf32>
    %add3A = vector.broadcast %get3A_14 : vector<1x64xf32> to vector<2000x64xf32>
    %add3A_15 = arith.addf %slice3A, %add3A : vector<2000x64xf32>
    %mul3A = arith.mulf %add3A_15, %add3A_15 : vector<2000x64xf32>
    %slice3A_16 = vector.extract_strided_slice %dot_general3A_11 {offsets = [0, 0], sizes = [2000, 64], strides = [1, 1]} : vector<2000x128xf32> to vector<2000x64xf32>
    %get3A_17 = arith.constant 0 : index
    %get3A_18 = arith.constant 0 : index
    %get3A_19 = vector.load %arg4[%get3A_17, %get3A_18] : memref<64x64xf32, #tpu.memory_space<vmem>>, vector<64x64xf32>
    %dot_general3A_20 = arith.constant dense<0.000000e+00> : vector<2000x64xf32>
    %dot_general3A_21 = tpu.matmul %mul3A, %get3A_19, %dot_general3A_20 {dimension_numbers = #tpu.dot_dimension_numbers<[1], [0], [0], [1], [0, 0, 1, 1], [], []>, transpose_lhs_hint = false} : vector<2000x64xf32>, vector<64x64xf32>, vector<2000x64xf32> -> vector<2000x64xf32>
    %add3A_22 = arith.addf %slice3A_16, %dot_general3A_21 : vector<2000x64xf32>
    %get3A_23 = arith.constant 0 : index
    %get3A_24 = arith.constant 0 : index
    %get3A_25 = vector.load %arg18[%get3A_23, %get3A_24] : memref<1x64xf32, #tpu.memory_space<vmem>>, vector<1x64xf32>
    %add3A_26 = vector.broadcast %get3A_25 : vector<1x64xf32> to vector<2000x64xf32>
    %add3A_27 = arith.addf %add3A_22, %add3A_26 : vector<2000x64xf32>
    %max3A = arith.constant 0.000000e+00 : f32
    %max3A_28 = vector.broadcast %max3A : f32 to vector<2000x64xf32>
    %max3A_29 = arith.maximumf %add3A_27, %max3A_28 : vector<2000x64xf32>
    %get3A_30 = arith.constant 0 : index
    %get3A_31 = arith.constant 0 : index
    %get3A_32 = vector.load %arg5[%get3A_30, %get3A_31] : memref<64x64xf32, #tpu.memory_space<vmem>>, vector<64x64xf32>
    %dot_general3A_33 = arith.constant dense<0.000000e+00> : vector<2000x64xf32>
    %dot_general3A_34 = tpu.matmul %add3A_15, %get3A_32, %dot_general3A_33 {dimension_numbers = #tpu.dot_dimension_numbers<[1], [0], [0], [1], [0, 0, 1, 1], [], []>, transpose_lhs_hint = false} : vector<2000x64xf32>, vector<64x64xf32>, vector<2000x64xf32> -> vector<2000x64xf32>
    %get3A_35 = arith.constant 0 : index
    %get3A_36 = arith.constant 0 : index
    %get3A_37 = vector.load %arg15[%get3A_35, %get3A_36] : memref<1x64xf32, #tpu.memory_space<vmem>>, vector<1x64xf32>
    %add3A_38 = vector.broadcast %get3A_37 : vector<1x64xf32> to vector<2000x64xf32>
    %add3A_39 = arith.addf %dot_general3A_34, %add3A_38 : vector<2000x64xf32>
    %get3A_40 = arith.constant 0 : index
    %get3A_41 = arith.constant 0 : index
    %get3A_42 = vector.load %arg6[%get3A_40, %get3A_41] : memref<64x128xf32, #tpu.memory_space<vmem>>, vector<64x128xf32>
    %dot_general3A_43 = arith.constant dense<0.000000e+00> : vector<2000x128xf32>
    %dot_general3A_44 = tpu.matmul %add3A_39, %get3A_42, %dot_general3A_43 {dimension_numbers = #tpu.dot_dimension_numbers<[1], [0], [0], [1], [0, 0, 1, 1], [], []>, transpose_lhs_hint = false} : vector<2000x64xf32>, vector<64x128xf32>, vector<2000x128xf32> -> vector<2000x128xf32>
    %slice3A_45 = vector.extract_strided_slice %dot_general3A_44 {offsets = [0, 0], sizes = [2000, 64], strides = [1, 1]} : vector<2000x128xf32> to vector<2000x64xf32>
    %slice3A_46 = vector.extract_strided_slice %dot_general3A_44 {offsets = [0, 64], sizes = [2000, 64], strides = [1, 1]} : vector<2000x128xf32> to vector<2000x64xf32>
    %mul3A_47 = arith.mulf %slice3A_45, %slice3A_46 : vector<2000x64xf32>
    %dot_general3A_48 = arith.constant dense<0.000000e+00> : vector<2000x64xf32>
    %dot_general3A_49 = tpu.matmul %mul3A_47, %get3A_1, %dot_general3A_48 {dimension_numbers = #tpu.dot_dimension_numbers<[1], [0], [0], [1], [0, 0, 1, 1], [], []>, transpose_lhs_hint = false} : vector<2000x64xf32>, vector<64x64xf32>, vector<2000x64xf32> -> vector<2000x64xf32>
    %mul3A_50 = arith.mulf %slice3A_46, %slice3A_46 : vector<2000x64xf32>
    %dot_general3A_51 = arith.constant dense<0.000000e+00> : vector<2000x64xf32>
    %dot_general3A_52 = tpu.matmul %mul3A_50, %get3A_1, %dot_general3A_51 {dimension_numbers = #tpu.dot_dimension_numbers<[1], [0], [0], [1], [0, 0, 1, 1], [], []>, transpose_lhs_hint = false} : vector<2000x64xf32>, vector<64x64xf32>, vector<2000x64xf32> -> vector<2000x64xf32>
    %add3A_53 = arith.constant 9.99999993E-9 : f32
    %add3A_54 = vector.broadcast %add3A_53 : f32 to vector<2000x64xf32>
    %add3A_55 = arith.addf %dot_general3A_52, %add3A_54 : vector<2000x64xf32>
    %div3A = arith.divf %dot_general3A_49, %add3A_55 : vector<2000x64xf32>
    %sign3A = tpu.bitcast %dot_general3A_49 : vector<2000x64xf32> -> vector<2000x64xi32>
    %sign3A_56 = arith.constant -2147483648 : i32
    %sign3A_57 = vector.broadcast %sign3A_56 : i32 to vector<2000x64xi32>
    %sign3A_58 = arith.andi %sign3A, %sign3A_57 : vector<2000x64xi32>
    %sign3A_59 = arith.constant 1065353216 : i32
    %sign3A_60 = vector.broadcast %sign3A_59 : i32 to vector<2000x64xi32>
    %sign3A_61 = arith.ori %sign3A_60, %sign3A_58 : vector<2000x64xi32>
    %sign3A_62 = tpu.bitcast %sign3A_61 : vector<2000x64xi32> -> vector<2000x64xf32>
    %sign3A_63 = math.absf %dot_general3A_49 : vector<2000x64xf32>
    %sign3A_64 = arith.constant 0.000000e+00 : f32
    %sign3A_65 = vector.broadcast %sign3A_64 : f32 to vector<2000x64xf32>
    %sign3A_66 = arith.cmpf ogt, %sign3A_63, %sign3A_65 : vector<2000x64xf32>
    %sign3A_67 = arith.select %sign3A_66, %sign3A_62, %dot_general3A_49 : vector<2000x64xi1>, vector<2000x64xf32>
    %max3A_68 = arith.constant 0.000000e+00 : f32
    %max3A_69 = vector.broadcast %max3A_68 : f32 to vector<2000x64xf32>
    %max3A_70 = arith.maximumf %sign3A_67, %max3A_69 : vector<2000x64xf32>
    %mul3A_71 = arith.mulf %max3A_70, %slice3A_45 : vector<2000x64xf32>
    %sub3A = arith.constant 1.000000e+00 : f32
    %sub3A_72 = vector.broadcast %sub3A : f32 to vector<2000x64xf32>
    %sub3A_73 = arith.subf %sub3A_72, %max3A_70 : vector<2000x64xf32>
    %mul3A_74 = arith.mulf %div3A, %slice3A_46 : vector<2000x64xf32>
    %sub3A_75 = arith.subf %slice3A_45, %mul3A_74 : vector<2000x64xf32>
    %mul3A_76 = arith.mulf %sub3A_73, %sub3A_75 : vector<2000x64xf32>
    %add3A_77 = arith.addf %mul3A_71, %mul3A_76 : vector<2000x64xf32>
    %get3A_78 = arith.constant 0 : index
    %get3A_79 = arith.constant 0 : index
    %get3A_80 = vector.load %arg7[%get3A_78, %get3A_79] : memref<64x64xf32, #tpu.memory_space<vmem>>, vector<64x64xf32>
    %dot_general3A_81 = arith.constant dense<0.000000e+00> : vector<2000x64xf32>
    %dot_general3A_82 = tpu.matmul %add3A_77, %get3A_80, %dot_general3A_81 {dimension_numbers = #tpu.dot_dimension_numbers<[1], [0], [0], [1], [0, 0, 1, 1], [], []>, transpose_lhs_hint = false} : vector<2000x64xf32>, vector<64x64xf32>, vector<2000x64xf32> -> vector<2000x64xf32>
    %get3A_83 = arith.constant 0 : index
    %get3A_84 = arith.constant 0 : index
    %get3A_85 = vector.load %arg16[%get3A_83, %get3A_84] : memref<1x64xf32, #tpu.memory_space<vmem>>, vector<1x64xf32>
    %add3A_86 = vector.broadcast %get3A_85 : vector<1x64xf32> to vector<2000x64xf32>
    %add3A_87 = arith.addf %dot_general3A_82, %add3A_86 : vector<2000x64xf32>
    %get3A_88 = arith.constant 0 : index
    %get3A_89 = arith.constant 0 : index
    %get3A_90 = vector.load %arg8[%get3A_88, %get3A_89] : memref<64x128xf32, #tpu.memory_space<vmem>>, vector<64x128xf32>
    %dot_general3A_91 = arith.constant dense<0.000000e+00> : vector<2000x128xf32>
    %dot_general3A_92 = tpu.matmul %add3A_87, %get3A_90, %dot_general3A_91 {dimension_numbers = #tpu.dot_dimension_numbers<[1], [0], [0], [1], [0, 0, 1, 1], [], []>, transpose_lhs_hint = false} : vector<2000x64xf32>, vector<64x128xf32>, vector<2000x128xf32> -> vector<2000x128xf32>
    %slice3A_93 = vector.extract_strided_slice %dot_general3A_92 {offsets = [0, 0], sizes = [2000, 64], strides = [1, 1]} : vector<2000x128xf32> to vector<2000x64xf32>
    %slice3A_94 = vector.extract_strided_slice %dot_general3A_92 {offsets = [0, 64], sizes = [2000, 64], strides = [1, 1]} : vector<2000x128xf32> to vector<2000x64xf32>
    %mul3A_95 = arith.mulf %slice3A_93, %slice3A_94 : vector<2000x64xf32>
    %dot_general3A_96 = arith.constant dense<0.000000e+00> : vector<2000x64xf32>
    %dot_general3A_97 = tpu.matmul %mul3A_95, %get3A_1, %dot_general3A_96 {dimension_numbers = #tpu.dot_dimension_numbers<[1], [0], [0], [1], [0, 0, 1, 1], [], []>, transpose_lhs_hint = false} : vector<2000x64xf32>, vector<64x64xf32>, vector<2000x64xf32> -> vector<2000x64xf32>
    %mul3A_98 = arith.mulf %slice3A_94, %slice3A_94 : vector<2000x64xf32>
    %dot_general3A_99 = arith.constant dense<0.000000e+00> : vector<2000x64xf32>
    %dot_general3A_100 = tpu.matmul %mul3A_98, %get3A_1, %dot_general3A_99 {dimension_numbers = #tpu.dot_dimension_numbers<[1], [0], [0], [1], [0, 0, 1, 1], [], []>, transpose_lhs_hint = false} : vector<2000x64xf32>, vector<64x64xf32>, vector<2000x64xf32> -> vector<2000x64xf32>
    %add3A_101 = arith.constant 9.99999993E-9 : f32
    %add3A_102 = vector.broadcast %add3A_101 : f32 to vector<2000x64xf32>
    %add3A_103 = arith.addf %dot_general3A_100, %add3A_102 : vector<2000x64xf32>
    %div3A_104 = arith.divf %dot_general3A_97, %add3A_103 : vector<2000x64xf32>
    %sign3A_105 = tpu.bitcast %dot_general3A_97 : vector<2000x64xf32> -> vector<2000x64xi32>
    %sign3A_106 = arith.constant -2147483648 : i32
    %sign3A_107 = vector.broadcast %sign3A_106 : i32 to vector<2000x64xi32>
    %sign3A_108 = arith.andi %sign3A_105, %sign3A_107 : vector<2000x64xi32>
    %sign3A_109 = arith.constant 1065353216 : i32
    %sign3A_110 = vector.broadcast %sign3A_109 : i32 to vector<2000x64xi32>
    %sign3A_111 = arith.ori %sign3A_110, %sign3A_108 : vector<2000x64xi32>
    %sign3A_112 = tpu.bitcast %sign3A_111 : vector<2000x64xi32> -> vector<2000x64xf32>
    %sign3A_113 = math.absf %dot_general3A_97 : vector<2000x64xf32>
    %sign3A_114 = arith.constant 0.000000e+00 : f32
    %sign3A_115 = vector.broadcast %sign3A_114 : f32 to vector<2000x64xf32>
    %sign3A_116 = arith.cmpf ogt, %sign3A_113, %sign3A_115 : vector<2000x64xf32>
    %sign3A_117 = arith.select %sign3A_116, %sign3A_112, %dot_general3A_97 : vector<2000x64xi1>, vector<2000x64xf32>
    %max3A_118 = arith.constant 0.000000e+00 : f32
    %max3A_119 = vector.broadcast %max3A_118 : f32 to vector<2000x64xf32>
    %max3A_120 = arith.maximumf %sign3A_117, %max3A_119 : vector<2000x64xf32>
    %mul3A_121 = arith.mulf %max3A_120, %slice3A_93 : vector<2000x64xf32>
    %sub3A_122 = arith.constant 1.000000e+00 : f32
    %sub3A_123 = vector.broadcast %sub3A_122 : f32 to vector<2000x64xf32>
    %sub3A_124 = arith.subf %sub3A_123, %max3A_120 : vector<2000x64xf32>
    %mul3A_125 = arith.mulf %div3A_104, %slice3A_94 : vector<2000x64xf32>
    %sub3A_126 = arith.subf %slice3A_93, %mul3A_125 : vector<2000x64xf32>
    %mul3A_127 = arith.mulf %sub3A_124, %sub3A_126 : vector<2000x64xf32>
    %add3A_128 = arith.addf %mul3A_121, %mul3A_127 : vector<2000x64xf32>
    %get3A_129 = arith.constant 0 : index
    %get3A_130 = arith.constant 0 : index
    %get3A_131 = vector.load %arg9[%get3A_129, %get3A_130] : memref<64x64xf32, #tpu.memory_space<vmem>>, vector<64x64xf32>
    %dot_general3A_132 = arith.constant dense<0.000000e+00> : vector<2000x64xf32>
    %dot_general3A_133 = tpu.matmul %add3A_128, %get3A_131, %dot_general3A_132 {dimension_numbers = #tpu.dot_dimension_numbers<[1], [0], [0], [1], [0, 0, 1, 1], [], []>, transpose_lhs_hint = false} : vector<2000x64xf32>, vector<64x64xf32>, vector<2000x64xf32> -> vector<2000x64xf32>
    %get3A_134 = arith.constant 0 : index
    %get3A_135 = arith.constant 0 : index
    %get3A_136 = vector.load %arg17[%get3A_134, %get3A_135] : memref<1x64xf32, #tpu.memory_space<vmem>>, vector<1x64xf32>
    %add3A_137 = vector.broadcast %get3A_136 : vector<1x64xf32> to vector<2000x64xf32>
    %add3A_138 = arith.addf %dot_general3A_133, %add3A_137 : vector<2000x64xf32>
    %get3A_139 = arith.constant 0 : index
    %get3A_140 = arith.constant 0 : index
    %get3A_141 = vector.load %arg10[%get3A_139, %get3A_140] : memref<64x64xf32, #tpu.memory_space<vmem>>, vector<64x64xf32>
    %dot_general3A_142 = arith.constant dense<0.000000e+00> : vector<2000x64xf32>
    %dot_general3A_143 = tpu.matmul %max3A_29, %get3A_141, %dot_general3A_142 {dimension_numbers = #tpu.dot_dimension_numbers<[1], [0], [0], [1], [0, 0, 1, 1], [], []>, transpose_lhs_hint = false} : vector<2000x64xf32>, vector<64x64xf32>, vector<2000x64xf32> -> vector<2000x64xf32>
    %get3A_144 = arith.constant 0 : index
    %get3A_145 = arith.constant 0 : index
    %get3A_146 = vector.load %arg19[%get3A_144, %get3A_145] : memref<1x64xf32, #tpu.memory_space<vmem>>, vector<1x64xf32>
    %add3A_147 = vector.broadcast %get3A_146 : vector<1x64xf32> to vector<2000x64xf32>
    %add3A_148 = arith.addf %dot_general3A_143, %add3A_147 : vector<2000x64xf32>
    %get3A_149 = arith.constant 0 : index
    %get3A_150 = arith.constant 0 : index
    %get3A_151 = vector.load %arg11[%get3A_149, %get3A_150] : memref<64x64xf32, #tpu.memory_space<vmem>>, vector<64x64xf32>
    %dot_general3A_152 = arith.constant dense<0.000000e+00> : vector<2000x64xf32>
    %dot_general3A_153 = tpu.matmul %add3A_148, %get3A_151, %dot_general3A_152 {dimension_numbers = #tpu.dot_dimension_numbers<[1], [0], [0], [1], [0, 0, 1, 1], [], []>, transpose_lhs_hint = false} : vector<2000x64xf32>, vector<64x64xf32>, vector<2000x64xf32> -> vector<2000x64xf32>
    %get3A_154 = arith.constant 0 : index
    %get3A_155 = arith.constant 0 : index
    %get3A_156 = vector.load %arg20[%get3A_154, %get3A_155] : memref<1x64xf32, #tpu.memory_space<vmem>>, vector<1x64xf32>
    %add3A_157 = vector.broadcast %get3A_156 : vector<1x64xf32> to vector<2000x64xf32>
    %add3A_158 = arith.addf %dot_general3A_153, %add3A_157 : vector<2000x64xf32>
    %max3A_159 = arith.constant 0.000000e+00 : f32
    %max3A_160 = vector.broadcast %max3A_159 : f32 to vector<2000x64xf32>
    %max3A_161 = arith.maximumf %add3A_158, %max3A_160 : vector<2000x64xf32>
    %get3A_162 = arith.constant 0 : index
    %get3A_163 = arith.constant 0 : index
    %get3A_164 = vector.load %arg12[%get3A_162, %get3A_163] : memref<64x64xf32, #tpu.memory_space<vmem>>, vector<64x64xf32>
    %dot_general3A_165 = arith.constant dense<0.000000e+00> : vector<2000x64xf32>
    %dot_general3A_166 = tpu.matmul %max3A_161, %get3A_164, %dot_general3A_165 {dimension_numbers = #tpu.dot_dimension_numbers<[1], [0], [0], [1], [0, 0, 1, 1], [], []>, transpose_lhs_hint = false} : vector<2000x64xf32>, vector<64x64xf32>, vector<2000x64xf32> -> vector<2000x64xf32>
    %get3A_167 = arith.constant 0 : index
    %get3A_168 = arith.constant 0 : index
    %get3A_169 = vector.load %arg21[%get3A_167, %get3A_168] : memref<1x64xf32, #tpu.memory_space<vmem>>, vector<1x64xf32>
    %add3A_170 = vector.broadcast %get3A_169 : vector<1x64xf32> to vector<2000x64xf32>
    %add3A_171 = arith.addf %dot_general3A_166, %add3A_170 : vector<2000x64xf32>
    %mul3A_172 = arith.mulf %add3A_138, %add3A_171 : vector<2000x64xf32>
    %reduce_sum3A = arith.constant dense<0.000000e+00> : vector<2000xf32>
    %reduce_sum3A_173 = vector.multi_reduction <add>, %add3A_148, %reduce_sum3A [1] : vector<2000x64xf32> to vector<2000xf32>
    %broadcast_in_dim3A = vector.shape_cast %reduce_sum3A_173 : vector<2000xf32> to vector<2000x1xf32>
    %div3A_174 = arith.constant 6.400000e+01 : f32
    %div3A_175 = vector.broadcast %div3A_174 : f32 to vector<2000x1xf32>
    %div3A_176 = arith.divf %broadcast_in_dim3A, %div3A_175 : vector<2000x1xf32>
    %sub3A_177 = vector.broadcast %div3A_176 : vector<2000x1xf32> to vector<2000x64xf32>
    %sub3A_178 = arith.subf %add3A_148, %sub3A_177 : vector<2000x64xf32>
    %sub3A_179 = vector.broadcast %div3A_176 : vector<2000x1xf32> to vector<2000x64xf32>
    %sub3A_180 = arith.subf %add3A_148, %sub3A_179 : vector<2000x64xf32>
    %mul3A_181 = arith.mulf %sub3A_178, %sub3A_180 : vector<2000x64xf32>
    %reduce_sum3A_182 = arith.constant dense<0.000000e+00> : vector<2000xf32>
    %reduce_sum3A_183 = vector.multi_reduction <add>, %mul3A_181, %reduce_sum3A_182 [1] : vector<2000x64xf32> to vector<2000xf32>
    %broadcast_in_dim3A_184 = vector.shape_cast %reduce_sum3A_183 : vector<2000xf32> to vector<2000x1xf32>
    %div3A_185 = arith.constant 6.400000e+01 : f32
    %div3A_186 = vector.broadcast %div3A_185 : f32 to vector<2000x1xf32>
    %div3A_187 = arith.divf %broadcast_in_dim3A_184, %div3A_186 : vector<2000x1xf32>
    %sub3A_188 = vector.broadcast %div3A_176 : vector<2000x1xf32> to vector<2000x64xf32>
    %sub3A_189 = arith.subf %add3A_148, %sub3A_188 : vector<2000x64xf32>
    %add3A_190 = arith.constant 9.99999974E-6 : f32
    %add3A_191 = vector.broadcast %add3A_190 : f32 to vector<2000x1xf32>
    %add3A_192 = arith.addf %div3A_187, %add3A_191 : vector<2000x1xf32>
    %sqrt3A = math.sqrt %add3A_192 : vector<2000x1xf32>
    %div3A_193 = vector.broadcast %sqrt3A : vector<2000x1xf32> to vector<2000x64xf32>
    %div3A_194 = arith.divf %sub3A_189, %div3A_193 : vector<2000x64xf32>
    %get3A_195 = arith.constant 0 : index
    %get3A_196 = arith.constant 0 : index
    %get3A_197 = vector.load %arg22[%get3A_195, %get3A_196] : memref<1x64xf32, #tpu.memory_space<vmem>>, vector<1x64xf32>
    %mul3A_198 = vector.broadcast %get3A_197 : vector<1x64xf32> to vector<2000x64xf32>
    %mul3A_199 = arith.mulf %div3A_194, %mul3A_198 : vector<2000x64xf32>
    %get3A_200 = arith.constant 0 : index
    %get3A_201 = arith.constant 0 : index
    %get3A_202 = vector.load %arg23[%get3A_200, %get3A_201] : memref<1x64xf32, #tpu.memory_space<vmem>>, vector<1x64xf32>
    %add3A_203 = vector.broadcast %get3A_202 : vector<1x64xf32> to vector<2000x64xf32>
    %add3A_204 = arith.addf %mul3A_199, %add3A_203 : vector<2000x64xf32>
    %mul3A_205 = arith.mulf %mul3A_172, %mul3A_172 : vector<2000x64xf32>
    %dot_general3A_206 = arith.constant dense<0.000000e+00> : vector<2000x64xf32>
    %dot_general3A_207 = tpu.matmul %mul3A_205, %get3A_1, %dot_general3A_206 {dimension_numbers = #tpu.dot_dimension_numbers<[1], [0], [0], [1], [0, 0, 1, 1], [], []>, transpose_lhs_hint = false} : vector<2000x64xf32>, vector<64x64xf32>, vector<2000x64xf32> -> vector<2000x64xf32>
    %sqrt3A_208 = math.sqrt %dot_general3A_207 : vector<2000x64xf32>
    %reduce_sum3A_209 = arith.constant dense<0.000000e+00> : vector<2000xf32>
    %reduce_sum3A_210 = vector.multi_reduction <add>, %sqrt3A_208, %reduce_sum3A_209 [1] : vector<2000x64xf32> to vector<2000xf32>
    %broadcast_in_dim3A_211 = vector.shape_cast %reduce_sum3A_210 : vector<2000xf32> to vector<2000x1xf32>
    %div3A_212 = arith.constant 6.400000e+01 : f32
    %div3A_213 = vector.broadcast %div3A_212 : f32 to vector<2000x1xf32>
    %div3A_214 = arith.divf %broadcast_in_dim3A_211, %div3A_213 : vector<2000x1xf32>
    %get3A_215 = arith.constant 0 : index
    %get3A_216 = arith.constant 0 : index
    %get3A_217 = vector.load %arg24[%get3A_215, %get3A_216] : memref<1x64xf32, #tpu.memory_space<vmem>>, vector<1x64xf32>
    %mul3A_218 = vector.broadcast %get3A_217 : vector<1x64xf32> to vector<2000x64xf32>
    %mul3A_219 = arith.mulf %mul3A_218, %mul3A_172 : vector<2000x64xf32>
    %add3A_220 = arith.constant 9.99999997E-7 : f32
    %add3A_221 = vector.broadcast %add3A_220 : f32 to vector<2000x1xf32>
    %add3A_222 = arith.addf %div3A_214, %add3A_221 : vector<2000x1xf32>
    %div3A_223 = vector.broadcast %add3A_222 : vector<2000x1xf32> to vector<2000x64xf32>
    %div3A_224 = arith.divf %mul3A_219, %div3A_223 : vector<2000x64xf32>
    %concatenate3A_225 = tpu.concatenate %add3A_204, %div3A_224 in 1 : vector<2000x64xf32>, vector<2000x64xf32> -> vector<2000x128xf32>
    %swap3A = arith.constant 0 : index
    %swap3A_226 = arith.constant 0 : index
    %swap3A_227 = vector.load %arg25[%swap3A, %swap3A_226] : memref<2000x128xf32, #tpu.memory_space<vmem>>, vector<2000x128xf32>
    tpu.vector_store %arg25[%swap3A, %swap3A_226], %concatenate3A_225 {strides = array<i32>} : memref<2000x128xf32, #tpu.memory_space<vmem>>, vector<2000x128xf32>,
    return
  }
  func.func @transform_0(%arg0: i32) -> (i32, i32) {
    %c0_i32 = arith.constant 0 : i32
    %c0_i32_0 = arith.constant 0 : i32
    return %arg0, %c0_i32 : i32, i32
  }
  func.func @transform_1(%arg0: i32) -> (i32, i32) {
    %c0_i32 = arith.constant 0 : i32
    %c0_i32_0 = arith.constant 0 : i32
    return %arg0, %c0_i32 : i32, i32
  }
  func.func @transform_2(%arg0: i32) -> (i32, i32) {
    %c0_i32 = arith.constant 0 : i32
    %c0_i32_0 = arith.constant 0 : i32
    %c0_i32_1 = arith.constant 0 : i32
    return %c0_i32, %c0_i32_0 : i32, i32
  }
  func.func @transform_3(%arg0: i32) -> (i32, i32) {
    %c0_i32 = arith.constant 0 : i32
    %c0_i32_0 = arith.constant 0 : i32
    %c0_i32_1 = arith.constant 0 : i32
    return %c0_i32, %c0_i32_0 : i32, i32
  }
  func.func @transform_4(%arg0: i32) -> (i32, i32) {
    %c0_i32 = arith.constant 0 : i32
    %c0_i32_0 = arith.constant 0 : i32
    %c0_i32_1 = arith.constant 0 : i32
    return %c0_i32, %c0_i32_0 : i32, i32
  }
  func.func @transform_5(%arg0: i32) -> (i32, i32) {
    %c0_i32 = arith.constant 0 : i32
    %c0_i32_0 = arith.constant 0 : i32
    %c0_i32_1 = arith.constant 0 : i32
    return %c0_i32, %c0_i32_0 : i32, i32
  }
  func.func @transform_6(%arg0: i32) -> (i32, i32) {
    %c0_i32 = arith.constant 0 : i32
    %c0_i32_0 = arith.constant 0 : i32
    %c0_i32_1 = arith.constant 0 : i32
    return %c0_i32, %c0_i32_0 : i32, i32
  }
  func.func @transform_7(%arg0: i32) -> (i32, i32) {
    %c0_i32 = arith.constant 0 : i32
    %c0_i32_0 = arith.constant 0 : i32
    %c0_i32_1 = arith.constant 0 : i32
    return %c0_i32, %c0_i32_0 : i32, i32
  }
  func.func @transform_8(%arg0: i32) -> (i32, i32) {
    %c0_i32 = arith.constant 0 : i32
    %c0_i32_0 = arith.constant 0 : i32
    %c0_i32_1 = arith.constant 0 : i32
    return %c0_i32, %c0_i32_0 : i32, i32
  }
  func.func @transform_9(%arg0: i32) -> (i32, i32) {
    %c0_i32 = arith.constant 0 : i32
    %c0_i32_0 = arith.constant 0 : i32
    %c0_i32_1 = arith.constant 0 : i32
    return %c0_i32, %c0_i32_0 : i32, i32
  }
  func.func @transform_10(%arg0: i32) -> (i32, i32) {
    %c0_i32 = arith.constant 0 : i32
    %c0_i32_0 = arith.constant 0 : i32
    %c0_i32_1 = arith.constant 0 : i32
    return %c0_i32, %c0_i32_0 : i32, i32
  }
  func.func @transform_11(%arg0: i32) -> (i32, i32) {
    %c0_i32 = arith.constant 0 : i32
    %c0_i32_0 = arith.constant 0 : i32
    %c0_i32_1 = arith.constant 0 : i32
    return %c0_i32, %c0_i32_0 : i32, i32
  }
  func.func @transform_12(%arg0: i32) -> (i32, i32) {
    %c0_i32 = arith.constant 0 : i32
    %c0_i32_0 = arith.constant 0 : i32
    %c0_i32_1 = arith.constant 0 : i32
    return %c0_i32, %c0_i32_0 : i32, i32
  }
  func.func @transform_13(%arg0: i32) -> (i32, i32) {
    %c0_i32 = arith.constant 0 : i32
    %c0_i32_0 = arith.constant 0 : i32
    %c0_i32_1 = arith.constant 0 : i32
    return %c0_i32, %c0_i32_0 : i32, i32
  }
  func.func @transform_14(%arg0: i32) -> (i32, i32) {
    %c0_i32 = arith.constant 0 : i32
    %c0_i32_0 = arith.constant 0 : i32
    %c0_i32_1 = arith.constant 0 : i32
    return %c0_i32, %c0_i32_0 : i32, i32
  }
  func.func @transform_15(%arg0: i32) -> (i32, i32) {
    %c0_i32 = arith.constant 0 : i32
    %c0_i32_0 = arith.constant 0 : i32
    %c0_i32_1 = arith.constant 0 : i32
    return %c0_i32, %c0_i32_0 : i32, i32
  }
  func.func @transform_16(%arg0: i32) -> (i32, i32) {
    %c0_i32 = arith.constant 0 : i32
    %c0_i32_0 = arith.constant 0 : i32
    %c0_i32_1 = arith.constant 0 : i32
    return %c0_i32, %c0_i32_0 : i32, i32
  }
  func.func @transform_17(%arg0: i32) -> (i32, i32) {
    %c0_i32 = arith.constant 0 : i32
    %c0_i32_0 = arith.constant 0 : i32
    %c0_i32_1 = arith.constant 0 : i32
    return %c0_i32, %c0_i32_0 : i32, i32
  }
  func.func @transform_18(%arg0: i32) -> (i32, i32) {
    %c0_i32 = arith.constant 0 : i32
    %c0_i32_0 = arith.constant 0 : i32
    %c0_i32_1 = arith.constant 0 : i32
    return %c0_i32, %c0_i32_0 : i32, i32
  }
  func.func @transform_19(%arg0: i32) -> (i32, i32) {
    %c0_i32 = arith.constant 0 : i32
    %c0_i32_0 = arith.constant 0 : i32
    %c0_i32_1 = arith.constant 0 : i32
    return %c0_i32, %c0_i32_0 : i32, i32
  }
  func.func @transform_20(%arg0: i32) -> (i32, i32) {
    %c0_i32 = arith.constant 0 : i32
    %c0_i32_0 = arith.constant 0 : i32
    %c0_i32_1 = arith.constant 0 : i32
    return %c0_i32, %c0_i32_0 : i32, i32
  }
  func.func @transform_21(%arg0: i32) -> (i32, i32) {
    %c0_i32 = arith.constant 0 : i32
    %c0_i32_0 = arith.constant 0 : i32
    %c0_i32_1 = arith.constant 0 : i32
    return %c0_i32, %c0_i32_0 : i32, i32
  }
  func.func @transform_22(%arg0: i32) -> (i32, i32) {
    %c0_i32 = arith.constant 0 : i32
    %c0_i32_0 = arith.constant 0 : i32
    %c0_i32_1 = arith.constant 0 : i32
    return %c0_i32, %c0_i32_0 : i32, i32
  }
  func.func @transform_23(%arg0: i32) -> (i32, i32) {
    %c0_i32 = arith.constant 0 : i32
    %c0_i32_0 = arith.constant 0 : i32
    %c0_i32_1 = arith.constant 0 : i32
    return %c0_i32, %c0_i32_0 : i32, i32
  }
  func.func @transform_24(%arg0: i32) -> (i32, i32) {
    %c0_i32 = arith.constant 0 : i32
    %c0_i32_0 = arith.constant 0 : i32
    return %arg0, %c0_i32 : i32, i32
  }
}

module attributes {stable_mosaic.version = 14 : i64} {
  func.func @_upd_body(%arg0: i32, %arg1: memref<2000x128xf32, #tpu.memory_space<vmem>>, %arg2: memref<2000x128xf32, #tpu.memory_space<vmem>>, %arg3: memref<2000x64xf32, #tpu.memory_space<vmem>>, %arg4: memref<2000x64xf32, #tpu.memory_space<vmem>>, %arg5: memref<64x64xf32, #tpu.memory_space<vmem>>, %arg6: memref<64x64xf32, #tpu.memory_space<vmem>>, %arg7: memref<128x64xf32, #tpu.memory_space<vmem>>, %arg8: memref<8x64x64xf32, #tpu.memory_space<vmem>>, %arg9: memref<8x64x64xf32, #tpu.memory_space<vmem>>, %arg10: memref<64x64xf32, #tpu.memory_space<vmem>>, %arg11: memref<64x64xf32, #tpu.memory_space<vmem>>, %arg12: memref<64x64xf32, #tpu.memory_space<vmem>>, %arg13: memref<1x64xf32, #tpu.memory_space<vmem>>, %arg14: memref<1x64xf32, #tpu.memory_space<vmem>>, %arg15: memref<1x64xf32, #tpu.memory_space<vmem>>, %arg16: memref<1x64xf32, #tpu.memory_space<vmem>>, %arg17: memref<1x64xf32, #tpu.memory_space<vmem>>, %arg18: memref<1x64xf32, #tpu.memory_space<vmem>>, %arg19: memref<1x64xf32, #tpu.memory_space<vmem>>, %arg20: memref<1x64xf32, #tpu.memory_space<vmem>>, %arg21: memref<2000x64xf32, #tpu.memory_space<vmem>>, %arg22: memref<2000x64xf32, #tpu.memory_space<vmem>>) attributes {dimension_semantics = [#tpu.dimension_semantics<arbitrary>], iteration_bounds = array<i64: 5>, scalar_prefetch = 0 : i64, scratch_operands = 0 : i64, tpu.core_type = #tpu.core_type<tc>, window_params = [{transform_indices = @transform_0, window_bounds = array<i64: 2000, 128>}, {transform_indices = @transform_1, window_bounds = array<i64: 2000, 128>}, {transform_indices = @transform_2, window_bounds = array<i64: 2000, 64>}, {transform_indices = @transform_3, window_bounds = array<i64: 2000, 64>}, {pipeline_mode = #tpu.pipeline_mode<synchronous>, transform_indices = @transform_4, window_bounds = array<i64: 64, 64>}, {pipeline_mode = #tpu.pipeline_mode<synchronous>, transform_indices = @transform_5, window_bounds = array<i64: 64, 64>}, {pipeline_mode = #tpu.pipeline_mode<synchronous>, transform_indices = @transform_6, window_bounds = array<i64: 128, 64>}, {pipeline_mode = #tpu.pipeline_mode<synchronous>, transform_indices = @transform_7, window_bounds = array<i64: 8, 64, 64>}, {pipeline_mode = #tpu.pipeline_mode<synchronous>, transform_indices = @transform_8, window_bounds = array<i64: 8, 64, 64>}, {pipeline_mode = #tpu.pipeline_mode<synchronous>, transform_indices = @transform_9, window_bounds = array<i64: 64, 64>}, {pipeline_mode = #tpu.pipeline_mode<synchronous>, transform_indices = @transform_10, window_bounds = array<i64: 64, 64>}, {pipeline_mode = #tpu.pipeline_mode<synchronous>, transform_indices = @transform_11, window_bounds = array<i64: 64, 64>}, {pipeline_mode = #tpu.pipeline_mode<synchronous>, transform_indices = @transform_12, window_bounds = array<i64: 1, 64>}, {pipeline_mode = #tpu.pipeline_mode<synchronous>, transform_indices = @transform_13, window_bounds = array<i64: 1, 64>}, {pipeline_mode = #tpu.pipeline_mode<synchronous>, transform_indices = @transform_14, window_bounds = array<i64: 1, 64>}, {pipeline_mode = #tpu.pipeline_mode<synchronous>, transform_indices = @transform_15, window_bounds = array<i64: 1, 64>}, {pipeline_mode = #tpu.pipeline_mode<synchronous>, transform_indices = @transform_16, window_bounds = array<i64: 1, 64>}, {pipeline_mode = #tpu.pipeline_mode<synchronous>, transform_indices = @transform_17, window_bounds = array<i64: 1, 64>}, {pipeline_mode = #tpu.pipeline_mode<synchronous>, transform_indices = @transform_18, window_bounds = array<i64: 1, 64>}, {pipeline_mode = #tpu.pipeline_mode<synchronous>, transform_indices = @transform_19, window_bounds = array<i64: 1, 64>}, {transform_indices = @transform_20, window_bounds = array<i64: 2000, 64>}, {transform_indices = @transform_21, window_bounds = array<i64: 2000, 64>}]} {
    %get3A = arith.constant 0 : index
    %get3A_0 = arith.constant 0 : index
    %get3A_1 = vector.load %arg1[%get3A, %get3A_0] : memref<2000x128xf32, #tpu.memory_space<vmem>>, vector<2000x128xf32>
    %get3A_2 = arith.constant 0 : index
    %get3A_3 = arith.constant 0 : index
    %get3A_4 = vector.load %arg2[%get3A_2, %get3A_3] : memref<2000x128xf32, #tpu.memory_space<vmem>>, vector<2000x128xf32>
    %slice3A = vector.extract_strided_slice %get3A_4 {offsets = [0, 0], sizes = [2000, 1], strides = [1, 1]} : vector<2000x128xf32> to vector<2000x1xf32>
    %sqrt3A = math.sqrt %slice3A : vector<2000x1xf32>
    %slice3A_5 = vector.extract_strided_slice %get3A_1 {offsets = [0, 0], sizes = [2000, 64], strides = [1, 1]} : vector<2000x128xf32> to vector<2000x64xf32>
    %div3A = vector.broadcast %sqrt3A : vector<2000x1xf32> to vector<2000x64xf32>
    %div3A_6 = arith.divf %slice3A_5, %div3A : vector<2000x64xf32>
    %slice3A_7 = vector.extract_strided_slice %get3A_1 {offsets = [0, 64], sizes = [2000, 64], strides = [1, 1]} : vector<2000x128xf32> to vector<2000x64xf32>
    %div3A_8 = vector.broadcast %sqrt3A : vector<2000x1xf32> to vector<2000x64xf32>
    %div3A_9 = arith.divf %slice3A_7, %div3A_8 : vector<2000x64xf32>
    %get3A_10 = arith.constant 0 : index
    %get3A_11 = arith.constant 0 : index
    %get3A_12 = vector.load %arg5[%get3A_10, %get3A_11] : memref<64x64xf32, #tpu.memory_space<vmem>>, vector<64x64xf32>
    %dot_general3A = arith.constant dense<0.000000e+00> : vector<2000x64xf32>
    %dot_general3A_13 = tpu.matmul %div3A_9, %get3A_12, %dot_general3A {dimension_numbers = #tpu.dot_dimension_numbers<[1], [0], [0], [1], [0, 0, 1, 1], [], []>, transpose_lhs_hint = false} : vector<2000x64xf32>, vector<64x64xf32>, vector<2000x64xf32> -> vector<2000x64xf32>
    %get3A_14 = arith.constant 0 : index
    %get3A_15 = arith.constant 0 : index
    %get3A_16 = vector.load %arg13[%get3A_14, %get3A_15] : memref<1x64xf32, #tpu.memory_space<vmem>>, vector<1x64xf32>
    %add3A = vector.broadcast %get3A_16 : vector<1x64xf32> to vector<2000x64xf32>
    %add3A_17 = arith.addf %dot_general3A_13, %add3A : vector<2000x64xf32>
    %get3A_18 = arith.constant 0 : index
    %get3A_19 = arith.constant 0 : index
    %get3A_20 = vector.load %arg6[%get3A_18, %get3A_19] : memref<64x64xf32, #tpu.memory_space<vmem>>, vector<64x64xf32>
    %dot_general3A_21 = arith.constant dense<0.000000e+00> : vector<2000x64xf32>
    %dot_general3A_22 = tpu.matmul %div3A_9, %get3A_20, %dot_general3A_21 {dimension_numbers = #tpu.dot_dimension_numbers<[1], [0], [0], [1], [0, 0, 1, 1], [], []>, transpose_lhs_hint = false} : vector<2000x64xf32>, vector<64x64xf32>, vector<2000x64xf32> -> vector<2000x64xf32>
    %get3A_23 = arith.constant 0 : index
    %get3A_24 = arith.constant 0 : index
    %get3A_25 = vector.load %arg14[%get3A_23, %get3A_24] : memref<1x64xf32, #tpu.memory_space<vmem>>, vector<1x64xf32>
    %add3A_26 = vector.broadcast %get3A_25 : vector<1x64xf32> to vector<2000x64xf32>
    %add3A_27 = arith.addf %dot_general3A_22, %add3A_26 : vector<2000x64xf32>
    %get3A_28 = arith.constant 0 : index
    %get3A_29 = arith.constant 0 : index
    %get3A_30 = arith.constant 0 : index
    %get3A_31 = vector.load %arg8[%get3A_28, %get3A_29, %get3A_30] : memref<8x64x64xf32, #tpu.memory_space<vmem>>, vector<8x64x64xf32>
    %get3A_32 = arith.constant 0 : index
    %get3A_33 = arith.constant 0 : index
    %get3A_34 = arith.constant 0 : index
    %get3A_35 = vector.load %arg9[%get3A_32, %get3A_33, %get3A_34] : memref<8x64x64xf32, #tpu.memory_space<vmem>>, vector<8x64x64xf32>
    %broadcast_in_dim3A = arith.constant 0.000000e+00 : f32
    %broadcast_in_dim3A_36 = vector.broadcast %broadcast_in_dim3A : f32 to vector<2000x64xf32>
    %slice3A_37 = vector.extract_strided_slice %get3A_31 {offsets = [0, 0, 0], sizes = [1, 64, 64], strides = [1, 1, 1]} : vector<8x64x64xf32> to vector<1x64x64xf32>
    %squeeze3A = vector.shape_cast %slice3A_37 : vector<1x64x64xf32> to vector<64x64xf32>
    %dot_general3A_38 = arith.constant dense<0.000000e+00> : vector<2000x64xf32>
    %dot_general3A_39 = tpu.matmul %add3A_27, %squeeze3A, %dot_general3A_38 {dimension_numbers = #tpu.dot_dimension_numbers<[1], [0], [0], [1], [0, 0, 1, 1], [], []>, transpose_lhs_hint = false} : vector<2000x64xf32>, vector<64x64xf32>, vector<2000x64xf32> -> vector<2000x64xf32>
    %slice3A_40 = vector.extract_strided_slice %get3A_35 {offsets = [0, 0, 0], sizes = [1, 64, 64], strides = [1, 1, 1]} : vector<8x64x64xf32> to vector<1x64x64xf32>
    %squeeze3A_41 = vector.shape_cast %slice3A_40 : vector<1x64x64xf32> to vector<64x64xf32>
    %dot_general3A_42 = arith.constant dense<0.000000e+00> : vector<2000x64xf32>
    %dot_general3A_43 = tpu.matmul %add3A_17, %squeeze3A_41, %dot_general3A_42 {dimension_numbers = #tpu.dot_dimension_numbers<[1], [0], [0], [1], [0, 0, 1, 1], [], []>, transpose_lhs_hint = false} : vector<2000x64xf32>, vector<64x64xf32>, vector<2000x64xf32> -> vector<2000x64xf32>
    %mul3A = arith.mulf %dot_general3A_39, %dot_general3A_43 : vector<2000x64xf32>
    %add3A_44 = arith.addf %broadcast_in_dim3A_36, %mul3A : vector<2000x64xf32>
    %slice3A_45 = vector.extract_strided_slice %get3A_31 {offsets = [1, 0, 0], sizes = [1, 64, 64], strides = [1, 1, 1]} : vector<8x64x64xf32> to vector<1x64x64xf32>
    %squeeze3A_46 = vector.shape_cast %slice3A_45 : vector<1x64x64xf32> to vector<64x64xf32>
    %dot_general3A_47 = arith.constant dense<0.000000e+00> : vector<2000x64xf32>
    %dot_general3A_48 = tpu.matmul %add3A_27, %squeeze3A_46, %dot_general3A_47 {dimension_numbers = #tpu.dot_dimension_numbers<[1], [0], [0], [1], [0, 0, 1, 1], [], []>, transpose_lhs_hint = false} : vector<2000x64xf32>, vector<64x64xf32>, vector<2000x64xf32> -> vector<2000x64xf32>
    %slice3A_49 = vector.extract_strided_slice %get3A_35 {offsets = [1, 0, 0], sizes = [1, 64, 64], strides = [1, 1, 1]} : vector<8x64x64xf32> to vector<1x64x64xf32>
    %squeeze3A_50 = vector.shape_cast %slice3A_49 : vector<1x64x64xf32> to vector<64x64xf32>
    %dot_general3A_51 = arith.constant dense<0.000000e+00> : vector<2000x64xf32>
    %dot_general3A_52 = tpu.matmul %add3A_17, %squeeze3A_50, %dot_general3A_51 {dimension_numbers = #tpu.dot_dimension_numbers<[1], [0], [0], [1], [0, 0, 1, 1], [], []>, transpose_lhs_hint = false} : vector<2000x64xf32>, vector<64x64xf32>, vector<2000x64xf32> -> vector<2000x64xf32>
    %mul3A_53 = arith.mulf %dot_general3A_48, %dot_general3A_52 : vector<2000x64xf32>
    %add3A_54 = arith.addf %add3A_44, %mul3A_53 : vector<2000x64xf32>
    %slice3A_55 = vector.extract_strided_slice %get3A_31 {offsets = [2, 0, 0], sizes = [1, 64, 64], strides = [1, 1, 1]} : vector<8x64x64xf32> to vector<1x64x64xf32>
    %squeeze3A_56 = vector.shape_cast %slice3A_55 : vector<1x64x64xf32> to vector<64x64xf32>
    %dot_general3A_57 = arith.constant dense<0.000000e+00> : vector<2000x64xf32>
    %dot_general3A_58 = tpu.matmul %add3A_27, %squeeze3A_56, %dot_general3A_57 {dimension_numbers = #tpu.dot_dimension_numbers<[1], [0], [0], [1], [0, 0, 1, 1], [], []>, transpose_lhs_hint = false} : vector<2000x64xf32>, vector<64x64xf32>, vector<2000x64xf32> -> vector<2000x64xf32>
    %slice3A_59 = vector.extract_strided_slice %get3A_35 {offsets = [2, 0, 0], sizes = [1, 64, 64], strides = [1, 1, 1]} : vector<8x64x64xf32> to vector<1x64x64xf32>
    %squeeze3A_60 = vector.shape_cast %slice3A_59 : vector<1x64x64xf32> to vector<64x64xf32>
    %dot_general3A_61 = arith.constant dense<0.000000e+00> : vector<2000x64xf32>
    %dot_general3A_62 = tpu.matmul %add3A_17, %squeeze3A_60, %dot_general3A_61 {dimension_numbers = #tpu.dot_dimension_numbers<[1], [0], [0], [1], [0, 0, 1, 1], [], []>, transpose_lhs_hint = false} : vector<2000x64xf32>, vector<64x64xf32>, vector<2000x64xf32> -> vector<2000x64xf32>
    %mul3A_63 = arith.mulf %dot_general3A_58, %dot_general3A_62 : vector<2000x64xf32>
    %add3A_64 = arith.addf %add3A_54, %mul3A_63 : vector<2000x64xf32>
    %slice3A_65 = vector.extract_strided_slice %get3A_31 {offsets = [3, 0, 0], sizes = [1, 64, 64], strides = [1, 1, 1]} : vector<8x64x64xf32> to vector<1x64x64xf32>
    %squeeze3A_66 = vector.shape_cast %slice3A_65 : vector<1x64x64xf32> to vector<64x64xf32>
    %dot_general3A_67 = arith.constant dense<0.000000e+00> : vector<2000x64xf32>
    %dot_general3A_68 = tpu.matmul %add3A_27, %squeeze3A_66, %dot_general3A_67 {dimension_numbers = #tpu.dot_dimension_numbers<[1], [0], [0], [1], [0, 0, 1, 1], [], []>, transpose_lhs_hint = false} : vector<2000x64xf32>, vector<64x64xf32>, vector<2000x64xf32> -> vector<2000x64xf32>
    %slice3A_69 = vector.extract_strided_slice %get3A_35 {offsets = [3, 0, 0], sizes = [1, 64, 64], strides = [1, 1, 1]} : vector<8x64x64xf32> to vector<1x64x64xf32>
    %squeeze3A_70 = vector.shape_cast %slice3A_69 : vector<1x64x64xf32> to vector<64x64xf32>
    %dot_general3A_71 = arith.constant dense<0.000000e+00> : vector<2000x64xf32>
    %dot_general3A_72 = tpu.matmul %add3A_17, %squeeze3A_70, %dot_general3A_71 {dimension_numbers = #tpu.dot_dimension_numbers<[1], [0], [0], [1], [0, 0, 1, 1], [], []>, transpose_lhs_hint = false} : vector<2000x64xf32>, vector<64x64xf32>, vector<2000x64xf32> -> vector<2000x64xf32>
    %mul3A_73 = arith.mulf %dot_general3A_68, %dot_general3A_72 : vector<2000x64xf32>
    %add3A_74 = arith.addf %add3A_64, %mul3A_73 : vector<2000x64xf32>
    %slice3A_75 = vector.extract_strided_slice %get3A_31 {offsets = [4, 0, 0], sizes = [1, 64, 64], strides = [1, 1, 1]} : vector<8x64x64xf32> to vector<1x64x64xf32>
    %squeeze3A_76 = vector.shape_cast %slice3A_75 : vector<1x64x64xf32> to vector<64x64xf32>
    %dot_general3A_77 = arith.constant dense<0.000000e+00> : vector<2000x64xf32>
    %dot_general3A_78 = tpu.matmul %add3A_27, %squeeze3A_76, %dot_general3A_77 {dimension_numbers = #tpu.dot_dimension_numbers<[1], [0], [0], [1], [0, 0, 1, 1], [], []>, transpose_lhs_hint = false} : vector<2000x64xf32>, vector<64x64xf32>, vector<2000x64xf32> -> vector<2000x64xf32>
    %slice3A_79 = vector.extract_strided_slice %get3A_35 {offsets = [4, 0, 0], sizes = [1, 64, 64], strides = [1, 1, 1]} : vector<8x64x64xf32> to vector<1x64x64xf32>
    %squeeze3A_80 = vector.shape_cast %slice3A_79 : vector<1x64x64xf32> to vector<64x64xf32>
    %dot_general3A_81 = arith.constant dense<0.000000e+00> : vector<2000x64xf32>
    %dot_general3A_82 = tpu.matmul %add3A_17, %squeeze3A_80, %dot_general3A_81 {dimension_numbers = #tpu.dot_dimension_numbers<[1], [0], [0], [1], [0, 0, 1, 1], [], []>, transpose_lhs_hint = false} : vector<2000x64xf32>, vector<64x64xf32>, vector<2000x64xf32> -> vector<2000x64xf32>
    %mul3A_83 = arith.mulf %dot_general3A_78, %dot_general3A_82 : vector<2000x64xf32>
    %add3A_84 = arith.addf %add3A_74, %mul3A_83 : vector<2000x64xf32>
    %slice3A_85 = vector.extract_strided_slice %get3A_31 {offsets = [5, 0, 0], sizes = [1, 64, 64], strides = [1, 1, 1]} : vector<8x64x64xf32> to vector<1x64x64xf32>
    %squeeze3A_86 = vector.shape_cast %slice3A_85 : vector<1x64x64xf32> to vector<64x64xf32>
    %dot_general3A_87 = arith.constant dense<0.000000e+00> : vector<2000x64xf32>
    %dot_general3A_88 = tpu.matmul %add3A_27, %squeeze3A_86, %dot_general3A_87 {dimension_numbers = #tpu.dot_dimension_numbers<[1], [0], [0], [1], [0, 0, 1, 1], [], []>, transpose_lhs_hint = false} : vector<2000x64xf32>, vector<64x64xf32>, vector<2000x64xf32> -> vector<2000x64xf32>
    %slice3A_89 = vector.extract_strided_slice %get3A_35 {offsets = [5, 0, 0], sizes = [1, 64, 64], strides = [1, 1, 1]} : vector<8x64x64xf32> to vector<1x64x64xf32>
    %squeeze3A_90 = vector.shape_cast %slice3A_89 : vector<1x64x64xf32> to vector<64x64xf32>
    %dot_general3A_91 = arith.constant dense<0.000000e+00> : vector<2000x64xf32>
    %dot_general3A_92 = tpu.matmul %add3A_17, %squeeze3A_90, %dot_general3A_91 {dimension_numbers = #tpu.dot_dimension_numbers<[1], [0], [0], [1], [0, 0, 1, 1], [], []>, transpose_lhs_hint = false} : vector<2000x64xf32>, vector<64x64xf32>, vector<2000x64xf32> -> vector<2000x64xf32>
    %mul3A_93 = arith.mulf %dot_general3A_88, %dot_general3A_92 : vector<2000x64xf32>
    %add3A_94 = arith.addf %add3A_84, %mul3A_93 : vector<2000x64xf32>
    %slice3A_95 = vector.extract_strided_slice %get3A_31 {offsets = [6, 0, 0], sizes = [1, 64, 64], strides = [1, 1, 1]} : vector<8x64x64xf32> to vector<1x64x64xf32>
    %squeeze3A_96 = vector.shape_cast %slice3A_95 : vector<1x64x64xf32> to vector<64x64xf32>
    %dot_general3A_97 = arith.constant dense<0.000000e+00> : vector<2000x64xf32>
    %dot_general3A_98 = tpu.matmul %add3A_27, %squeeze3A_96, %dot_general3A_97 {dimension_numbers = #tpu.dot_dimension_numbers<[1], [0], [0], [1], [0, 0, 1, 1], [], []>, transpose_lhs_hint = false} : vector<2000x64xf32>, vector<64x64xf32>, vector<2000x64xf32> -> vector<2000x64xf32>
    %slice3A_99 = vector.extract_strided_slice %get3A_35 {offsets = [6, 0, 0], sizes = [1, 64, 64], strides = [1, 1, 1]} : vector<8x64x64xf32> to vector<1x64x64xf32>
    %squeeze3A_100 = vector.shape_cast %slice3A_99 : vector<1x64x64xf32> to vector<64x64xf32>
    %dot_general3A_101 = arith.constant dense<0.000000e+00> : vector<2000x64xf32>
    %dot_general3A_102 = tpu.matmul %add3A_17, %squeeze3A_100, %dot_general3A_101 {dimension_numbers = #tpu.dot_dimension_numbers<[1], [0], [0], [1], [0, 0, 1, 1], [], []>, transpose_lhs_hint = false} : vector<2000x64xf32>, vector<64x64xf32>, vector<2000x64xf32> -> vector<2000x64xf32>
    %mul3A_103 = arith.mulf %dot_general3A_98, %dot_general3A_102 : vector<2000x64xf32>
    %add3A_104 = arith.addf %add3A_94, %mul3A_103 : vector<2000x64xf32>
    %slice3A_105 = vector.extract_strided_slice %get3A_31 {offsets = [7, 0, 0], sizes = [1, 64, 64], strides = [1, 1, 1]} : vector<8x64x64xf32> to vector<1x64x64xf32>
    %squeeze3A_106 = vector.shape_cast %slice3A_105 : vector<1x64x64xf32> to vector<64x64xf32>
    %dot_general3A_107 = arith.constant dense<0.000000e+00> : vector<2000x64xf32>
    %dot_general3A_108 = tpu.matmul %add3A_27, %squeeze3A_106, %dot_general3A_107 {dimension_numbers = #tpu.dot_dimension_numbers<[1], [0], [0], [1], [0, 0, 1, 1], [], []>, transpose_lhs_hint = false} : vector<2000x64xf32>, vector<64x64xf32>, vector<2000x64xf32> -> vector<2000x64xf32>
    %slice3A_109 = vector.extract_strided_slice %get3A_35 {offsets = [7, 0, 0], sizes = [1, 64, 64], strides = [1, 1, 1]} : vector<8x64x64xf32> to vector<1x64x64xf32>
    %squeeze3A_110 = vector.shape_cast %slice3A_109 : vector<1x64x64xf32> to vector<64x64xf32>
    %dot_general3A_111 = arith.constant dense<0.000000e+00> : vector<2000x64xf32>
    %dot_general3A_112 = tpu.matmul %add3A_17, %squeeze3A_110, %dot_general3A_111 {dimension_numbers = #tpu.dot_dimension_numbers<[1], [0], [0], [1], [0, 0, 1, 1], [], []>, transpose_lhs_hint = false} : vector<2000x64xf32>, vector<64x64xf32>, vector<2000x64xf32> -> vector<2000x64xf32>
    %mul3A_113 = arith.mulf %dot_general3A_108, %dot_general3A_112 : vector<2000x64xf32>
    %add3A_114 = arith.addf %add3A_104, %mul3A_113 : vector<2000x64xf32>
    %concatenate3A = tpu.concatenate %add3A_114, %div3A_9 in 1 : vector<2000x64xf32>, vector<2000x64xf32> -> vector<2000x128xf32>
    %get3A_115 = arith.constant 0 : index
    %get3A_116 = arith.constant 0 : index
    %get3A_117 = vector.load %arg7[%get3A_115, %get3A_116] : memref<128x64xf32, #tpu.memory_space<vmem>>, vector<128x64xf32>
    %dot_general3A_118 = arith.constant dense<0.000000e+00> : vector<2000x64xf32>
    %dot_general3A_119 = tpu.matmul %concatenate3A, %get3A_117, %dot_general3A_118 {dimension_numbers = #tpu.dot_dimension_numbers<[1], [0], [0], [1], [0, 0, 1, 1], [], []>, transpose_lhs_hint = false} : vector<2000x128xf32>, vector<128x64xf32>, vector<2000x64xf32> -> vector<2000x64xf32>
    %get3A_120 = arith.constant 0 : index
    %get3A_121 = arith.constant 0 : index
    %get3A_122 = vector.load %arg15[%get3A_120, %get3A_121] : memref<1x64xf32, #tpu.memory_space<vmem>>, vector<1x64xf32>
    %add3A_123 = vector.broadcast %get3A_122 : vector<1x64xf32> to vector<2000x64xf32>
    %add3A_124 = arith.addf %dot_general3A_119, %add3A_123 : vector<2000x64xf32>
    %mul3A_125 = arith.mulf %add3A_124, %add3A_124 : vector<2000x64xf32>
    %get3A_126 = arith.constant 0 : index
    %get3A_127 = arith.constant 0 : index
    %get3A_128 = vector.load %arg10[%get3A_126, %get3A_127] : memref<64x64xf32, #tpu.memory_space<vmem>>, vector<64x64xf32>
    %dot_general3A_129 = arith.constant dense<0.000000e+00> : vector<2000x64xf32>
    %dot_general3A_130 = tpu.matmul %mul3A_125, %get3A_128, %dot_general3A_129 {dimension_numbers = #tpu.dot_dimension_numbers<[1], [0], [0], [1], [0, 0, 1, 1], [], []>, transpose_lhs_hint = false} : vector<2000x64xf32>, vector<64x64xf32>, vector<2000x64xf32> -> vector<2000x64xf32>
    %sqrt3A_131 = math.sqrt %dot_general3A_130 : vector<2000x64xf32>
    %reduce_sum3A = arith.constant dense<0.000000e+00> : vector<2000xf32>
    %reduce_sum3A_132 = vector.multi_reduction <add>, %sqrt3A_131, %reduce_sum3A [1] : vector<2000x64xf32> to vector<2000xf32>
    %broadcast_in_dim3A_133 = vector.shape_cast %reduce_sum3A_132 : vector<2000xf32> to vector<2000x1xf32>
    %div3A_134 = arith.constant 6.400000e+01 : f32
    %div3A_135 = vector.broadcast %div3A_134 : f32 to vector<2000x1xf32>
    %div3A_136 = arith.divf %broadcast_in_dim3A_133, %div3A_135 : vector<2000x1xf32>
    %get3A_137 = arith.constant 0 : index
    %get3A_138 = arith.constant 0 : index
    %get3A_139 = vector.load %arg16[%get3A_137, %get3A_138] : memref<1x64xf32, #tpu.memory_space<vmem>>, vector<1x64xf32>
    %mul3A_140 = vector.broadcast %get3A_139 : vector<1x64xf32> to vector<2000x64xf32>
    %mul3A_141 = arith.mulf %mul3A_140, %add3A_124 : vector<2000x64xf32>
    %add3A_142 = arith.constant 9.99999997E-7 : f32
    %add3A_143 = vector.broadcast %add3A_142 : f32 to vector<2000x1xf32>
    %add3A_144 = arith.addf %div3A_136, %add3A_143 : vector<2000x1xf32>
    %div3A_145 = vector.broadcast %add3A_144 : vector<2000x1xf32> to vector<2000x64xf32>
    %div3A_146 = arith.divf %mul3A_141, %div3A_145 : vector<2000x64xf32>
    %get3A_147 = arith.constant 0 : index
    %get3A_148 = arith.constant 0 : index
    %get3A_149 = vector.load %arg11[%get3A_147, %get3A_148] : memref<64x64xf32, #tpu.memory_space<vmem>>, vector<64x64xf32>
    %dot_general3A_150 = arith.constant dense<0.000000e+00> : vector<2000x64xf32>
    %dot_general3A_151 = tpu.matmul %div3A_6, %get3A_149, %dot_general3A_150 {dimension_numbers = #tpu.dot_dimension_numbers<[1], [0], [0], [1], [0, 0, 1, 1], [], []>, transpose_lhs_hint = false} : vector<2000x64xf32>, vector<64x64xf32>, vector<2000x64xf32> -> vector<2000x64xf32>
    %get3A_152 = arith.constant 0 : index
    %get3A_153 = arith.constant 0 : index
    %get3A_154 = vector.load %arg17[%get3A_152, %get3A_153] : memref<1x64xf32, #tpu.memory_space<vmem>>, vector<1x64xf32>
    %add3A_155 = vector.broadcast %get3A_154 : vector<1x64xf32> to vector<2000x64xf32>
    %add3A_156 = arith.addf %dot_general3A_151, %add3A_155 : vector<2000x64xf32>
    %max3A = arith.constant 0.000000e+00 : f32
    %max3A_157 = vector.broadcast %max3A : f32 to vector<2000x64xf32>
    %max3A_158 = arith.maximumf %add3A_156, %max3A_157 : vector<2000x64xf32>
    %get3A_159 = arith.constant 0 : index
    %get3A_160 = arith.constant 0 : index
    %get3A_161 = vector.load %arg12[%get3A_159, %get3A_160] : memref<64x64xf32, #tpu.memory_space<vmem>>, vector<64x64xf32>
    %dot_general3A_162 = arith.constant dense<0.000000e+00> : vector<2000x64xf32>
    %dot_general3A_163 = tpu.matmul %max3A_158, %get3A_161, %dot_general3A_162 {dimension_numbers = #tpu.dot_dimension_numbers<[1], [0], [0], [1], [0, 0, 1, 1], [], []>, transpose_lhs_hint = false} : vector<2000x64xf32>, vector<64x64xf32>, vector<2000x64xf32> -> vector<2000x64xf32>
    %get3A_164 = arith.constant 0 : index
    %get3A_165 = arith.constant 0 : index
    %get3A_166 = vector.load %arg18[%get3A_164, %get3A_165] : memref<1x64xf32, #tpu.memory_space<vmem>>, vector<1x64xf32>
    %add3A_167 = vector.broadcast %get3A_166 : vector<1x64xf32> to vector<2000x64xf32>
    %add3A_168 = arith.addf %dot_general3A_163, %add3A_167 : vector<2000x64xf32>
    %reduce_sum3A_169 = arith.constant dense<0.000000e+00> : vector<2000xf32>
    %reduce_sum3A_170 = vector.multi_reduction <add>, %add3A_168, %reduce_sum3A_169 [1] : vector<2000x64xf32> to vector<2000xf32>
    %broadcast_in_dim3A_171 = vector.shape_cast %reduce_sum3A_170 : vector<2000xf32> to vector<2000x1xf32>
    %div3A_172 = arith.constant 6.400000e+01 : f32
    %div3A_173 = vector.broadcast %div3A_172 : f32 to vector<2000x1xf32>
    %div3A_174 = arith.divf %broadcast_in_dim3A_171, %div3A_173 : vector<2000x1xf32>
    %sub3A = vector.broadcast %div3A_174 : vector<2000x1xf32> to vector<2000x64xf32>
    %sub3A_175 = arith.subf %add3A_168, %sub3A : vector<2000x64xf32>
    %sub3A_176 = vector.broadcast %div3A_174 : vector<2000x1xf32> to vector<2000x64xf32>
    %sub3A_177 = arith.subf %add3A_168, %sub3A_176 : vector<2000x64xf32>
    %mul3A_178 = arith.mulf %sub3A_175, %sub3A_177 : vector<2000x64xf32>
    %reduce_sum3A_179 = arith.constant dense<0.000000e+00> : vector<2000xf32>
    %reduce_sum3A_180 = vector.multi_reduction <add>, %mul3A_178, %reduce_sum3A_179 [1] : vector<2000x64xf32> to vector<2000xf32>
    %broadcast_in_dim3A_181 = vector.shape_cast %reduce_sum3A_180 : vector<2000xf32> to vector<2000x1xf32>
    %div3A_182 = arith.constant 6.400000e+01 : f32
    %div3A_183 = vector.broadcast %div3A_182 : f32 to vector<2000x1xf32>
    %div3A_184 = arith.divf %broadcast_in_dim3A_181, %div3A_183 : vector<2000x1xf32>
    %sub3A_185 = vector.broadcast %div3A_174 : vector<2000x1xf32> to vector<2000x64xf32>
    %sub3A_186 = arith.subf %add3A_168, %sub3A_185 : vector<2000x64xf32>
    %add3A_187 = arith.constant 9.99999974E-6 : f32
    %add3A_188 = vector.broadcast %add3A_187 : f32 to vector<2000x1xf32>
    %add3A_189 = arith.addf %div3A_184, %add3A_188 : vector<2000x1xf32>
    %sqrt3A_190 = math.sqrt %add3A_189 : vector<2000x1xf32>
    %div3A_191 = vector.broadcast %sqrt3A_190 : vector<2000x1xf32> to vector<2000x64xf32>
    %div3A_192 = arith.divf %sub3A_186, %div3A_191 : vector<2000x64xf32>
    %get3A_193 = arith.constant 0 : index
    %get3A_194 = arith.constant 0 : index
    %get3A_195 = vector.load %arg19[%get3A_193, %get3A_194] : memref<1x64xf32, #tpu.memory_space<vmem>>, vector<1x64xf32>
    %mul3A_196 = vector.broadcast %get3A_195 : vector<1x64xf32> to vector<2000x64xf32>
    %mul3A_197 = arith.mulf %div3A_192, %mul3A_196 : vector<2000x64xf32>
    %get3A_198 = arith.constant 0 : index
    %get3A_199 = arith.constant 0 : index
    %get3A_200 = vector.load %arg20[%get3A_198, %get3A_199] : memref<1x64xf32, #tpu.memory_space<vmem>>, vector<1x64xf32>
    %add3A_201 = vector.broadcast %get3A_200 : vector<1x64xf32> to vector<2000x64xf32>
    %add3A_202 = arith.addf %mul3A_197, %add3A_201 : vector<2000x64xf32>
    %get3A_203 = arith.constant 0 : index
    %get3A_204 = arith.constant 0 : index
    %get3A_205 = vector.load %arg3[%get3A_203, %get3A_204] : memref<2000x64xf32, #tpu.memory_space<vmem>>, vector<2000x64xf32>
    %add3A_206 = arith.addf %add3A_202, %get3A_205 : vector<2000x64xf32>
    %swap3A = arith.constant 0 : index
    %swap3A_207 = arith.constant 0 : index
    %swap3A_208 = vector.load %arg21[%swap3A, %swap3A_207] : memref<2000x64xf32, #tpu.memory_space<vmem>>, vector<2000x64xf32>
    tpu.vector_store %arg21[%swap3A, %swap3A_207], %add3A_206 {strides = array<i32>} : memref<2000x64xf32, #tpu.memory_space<vmem>>, vector<2000x64xf32>,
    %get3A_209 = arith.constant 0 : index
    %get3A_210 = arith.constant 0 : index
    %get3A_211 = vector.load %arg4[%get3A_209, %get3A_210] : memref<2000x64xf32, #tpu.memory_space<vmem>>, vector<2000x64xf32>
    %add3A_212 = arith.addf %div3A_146, %get3A_211 : vector<2000x64xf32>
    %swap3A_213 = arith.constant 0 : index
    %swap3A_214 = arith.constant 0 : index
    %swap3A_215 = vector.load %arg22[%swap3A_213, %swap3A_214] : memref<2000x64xf32, #tpu.memory_space<vmem>>, vector<2000x64xf32>
    tpu.vector_store %arg22[%swap3A_213, %swap3A_214], %add3A_212 {strides = array<i32>} : memref<2000x64xf32, #tpu.memory_space<vmem>>, vector<2000x64xf32>,
    return
  }
  func.func @transform_0(%arg0: i32) -> (i32, i32) {
    %c0_i32 = arith.constant 0 : i32
    %c0_i32_0 = arith.constant 0 : i32
    return %arg0, %c0_i32 : i32, i32
  }
  func.func @transform_1(%arg0: i32) -> (i32, i32) {
    %c0_i32 = arith.constant 0 : i32
    %c0_i32_0 = arith.constant 0 : i32
    return %arg0, %c0_i32 : i32, i32
  }
  func.func @transform_2(%arg0: i32) -> (i32, i32) {
    %c0_i32 = arith.constant 0 : i32
    %c0_i32_0 = arith.constant 0 : i32
    return %arg0, %c0_i32 : i32, i32
  }
  func.func @transform_3(%arg0: i32) -> (i32, i32) {
    %c0_i32 = arith.constant 0 : i32
    %c0_i32_0 = arith.constant 0 : i32
    return %arg0, %c0_i32 : i32, i32
  }
  func.func @transform_4(%arg0: i32) -> (i32, i32) {
    %c0_i32 = arith.constant 0 : i32
    %c0_i32_0 = arith.constant 0 : i32
    %c0_i32_1 = arith.constant 0 : i32
    return %c0_i32, %c0_i32_0 : i32, i32
  }
  func.func @transform_5(%arg0: i32) -> (i32, i32) {
    %c0_i32 = arith.constant 0 : i32
    %c0_i32_0 = arith.constant 0 : i32
    %c0_i32_1 = arith.constant 0 : i32
    return %c0_i32, %c0_i32_0 : i32, i32
  }
  func.func @transform_6(%arg0: i32) -> (i32, i32) {
    %c0_i32 = arith.constant 0 : i32
    %c0_i32_0 = arith.constant 0 : i32
    %c0_i32_1 = arith.constant 0 : i32
    return %c0_i32, %c0_i32_0 : i32, i32
  }
  func.func @transform_7(%arg0: i32) -> (i32, i32, i32) {
    %c0_i32 = arith.constant 0 : i32
    %c0_i32_0 = arith.constant 0 : i32
    %c0_i32_1 = arith.constant 0 : i32
    %c0_i32_2 = arith.constant 0 : i32
    return %c0_i32, %c0_i32_0, %c0_i32_1 : i32, i32, i32
  }
  func.func @transform_8(%arg0: i32) -> (i32, i32, i32) {
    %c0_i32 = arith.constant 0 : i32
    %c0_i32_0 = arith.constant 0 : i32
    %c0_i32_1 = arith.constant 0 : i32
    %c0_i32_2 = arith.constant 0 : i32
    return %c0_i32, %c0_i32_0, %c0_i32_1 : i32, i32, i32
  }
  func.func @transform_9(%arg0: i32) -> (i32, i32) {
    %c0_i32 = arith.constant 0 : i32
    %c0_i32_0 = arith.constant 0 : i32
    %c0_i32_1 = arith.constant 0 : i32
    return %c0_i32, %c0_i32_0 : i32, i32
  }
  func.func @transform_10(%arg0: i32) -> (i32, i32) {
    %c0_i32 = arith.constant 0 : i32
    %c0_i32_0 = arith.constant 0 : i32
    %c0_i32_1 = arith.constant 0 : i32
    return %c0_i32, %c0_i32_0 : i32, i32
  }
  func.func @transform_11(%arg0: i32) -> (i32, i32) {
    %c0_i32 = arith.constant 0 : i32
    %c0_i32_0 = arith.constant 0 : i32
    %c0_i32_1 = arith.constant 0 : i32
    return %c0_i32, %c0_i32_0 : i32, i32
  }
  func.func @transform_12(%arg0: i32) -> (i32, i32) {
    %c0_i32 = arith.constant 0 : i32
    %c0_i32_0 = arith.constant 0 : i32
    %c0_i32_1 = arith.constant 0 : i32
    return %c0_i32, %c0_i32_0 : i32, i32
  }
  func.func @transform_13(%arg0: i32) -> (i32, i32) {
    %c0_i32 = arith.constant 0 : i32
    %c0_i32_0 = arith.constant 0 : i32
    %c0_i32_1 = arith.constant 0 : i32
    return %c0_i32, %c0_i32_0 : i32, i32
  }
  func.func @transform_14(%arg0: i32) -> (i32, i32) {
    %c0_i32 = arith.constant 0 : i32
    %c0_i32_0 = arith.constant 0 : i32
    %c0_i32_1 = arith.constant 0 : i32
    return %c0_i32, %c0_i32_0 : i32, i32
  }
  func.func @transform_15(%arg0: i32) -> (i32, i32) {
    %c0_i32 = arith.constant 0 : i32
    %c0_i32_0 = arith.constant 0 : i32
    %c0_i32_1 = arith.constant 0 : i32
    return %c0_i32, %c0_i32_0 : i32, i32
  }
  func.func @transform_16(%arg0: i32) -> (i32, i32) {
    %c0_i32 = arith.constant 0 : i32
    %c0_i32_0 = arith.constant 0 : i32
    %c0_i32_1 = arith.constant 0 : i32
    return %c0_i32, %c0_i32_0 : i32, i32
  }
  func.func @transform_17(%arg0: i32) -> (i32, i32) {
    %c0_i32 = arith.constant 0 : i32
    %c0_i32_0 = arith.constant 0 : i32
    %c0_i32_1 = arith.constant 0 : i32
    return %c0_i32, %c0_i32_0 : i32, i32
  }
  func.func @transform_18(%arg0: i32) -> (i32, i32) {
    %c0_i32 = arith.constant 0 : i32
    %c0_i32_0 = arith.constant 0 : i32
    %c0_i32_1 = arith.constant 0 : i32
    return %c0_i32, %c0_i32_0 : i32, i32
  }
  func.func @transform_19(%arg0: i32) -> (i32, i32) {
    %c0_i32 = arith.constant 0 : i32
    %c0_i32_0 = arith.constant 0 : i32
    %c0_i32_1 = arith.constant 0 : i32
    return %c0_i32, %c0_i32_0 : i32, i32
  }
  func.func @transform_20(%arg0: i32) -> (i32, i32) {
    %c0_i32 = arith.constant 0 : i32
    %c0_i32_0 = arith.constant 0 : i32
    return %arg0, %c0_i32 : i32, i32
  }
  func.func @transform_21(%arg0: i32) -> (i32, i32) {
    %c0_i32 = arith.constant 0 : i32
    %c0_i32_0 = arith.constant 0 : i32
    return %arg0, %c0_i32 : i32, i32
  }
}

</mosaic_0001>

<sc_bundles>
// kernel: kernel.6.cloned.1.call-start
scs
__scs_entry_jumppad:
0x0: {  	(pc) =	sbr.rel $0x88, $3  }
0x1: {  	(tag) =	ssettag $0x0;
	lr =	simm.s32 $0x1  }
0x2: {  	[smem:$0x3F7A] =	sst lr;
	_ =	strace $0xD0000000  }
0x3: {  	_ = 	snop  }
0x4: {  	_ = 	snop  }
0x5: {  	_ = 	snop  }
0x6: {  	_ = 	snop  }
0x7: {  	_ = 	snop  }
__scs_overlays_trampoline_lowered:
0x8: {  	[smem:$0x3F89] =	sst s0  }
0x9: {  	[smem:$0x3F8A] =	sst s1  }
0xa: {  	[smem:$0x3F8B] =	sst s2  }
0xb: {  	[smem:$0x3F8C] =	sst s3  }
0xc: {  	[smem:$0x3F8D] =	sst s4  }
0xd: {  	[smem:$0x3F8E] =	sst s5  }
0xe: {  	[smem:$0x3F8F] =	sst s6  }
0xf: {  	[smem:$0x3F90] =	sst s7  }
0x10: {  	[smem:$0x3F91] =	sst s8  }
0x11: {  	[smem:$0x3F92] =	sst s9;
	s0 =	simm.s32 @!p0 $0x0  }
0x12: {  	s1 =	sld [smem:$0x3F78];
	s0 =	simm.s32 @p0 $0x1  }
0x13: {  	[smem:$0x3F93] =	sst s0;
	s0 =	simm.s32 @!p1 $0x0  }
0x14: {  	s2 =	sld [smem:$0x3F77];
	s0 =	simm.s32 @p1 $0x1  }
0x15: {  	[smem:$0x3F94] =	sst s0;
	s0 =	simm.s32 @!p2 $0x0  }
0x16: {  	s3 =	sld [smem:$0x3FDB];
	s0 =	simm.s32 @p2 $0x1  }
0x17: {  	s4 =	simm.s32 $0x1BF5;
	[smem:$0x3F96] =	sst s0  }
0x18: {  	s0 =	sld [smem:$0x3F79];
	_ =	swait.ge [sflag:s4], $0x0  }
0x19: {  	s7 =	sld [smem:$0x3F7A]  }
0x1a: {  	s8 =	sadd.s32 $0xFFFFE003, lr  }
0x1b: {  	s9 =	sadd.s32 $0xFFFFFEF7, lr;
	s5 =	simm.s32 $0xFFFFFFFF;
	p2 =	slt.u32 s8, $0xFFFFF086  }
0x1c: {  	p1 =	slt.u32 s9, $0xF7A;
	s5 =	simm.s32 @!p2 $0x0  }
0x1d: {  	s5 =	simm.s32 @p1 $0x1;
	p0 =	seq.s32 s7, s2  }
0x1e: {  	s7 =	smul.u32 @!p0 $0xF7A, s2;
	p2 =	seq.s32 @!p0 s5, $0x0  }
0x1f: {  	s9 =	smul.u32 $0xF7A, s1;
	s8 =	simm.s32 @!p0 $0x1BF5;
	p2 =	por !p2, p0  }
0x20: {  	[sflag:s8] =	ssyncset.s32 @!p0 $0xFFFFF086;
	s6 =	sadd.s32 @!p0 s3, s7;
	s7 =	simm.s32 @!p0 $0x108  }
0x21: {  	s3 =	sadd.s32 s3, s9;
	s6 =	sadd.s32 @!p0 $0x88, s6;
	s7 =	simm.s32 @p2 $0x1082  }
0x22: {  	[simem:s7], [sflag:s8] =	dma.local @!p0 [hbm:s6], $0xF7A  }
0x23: {  	s9 =	sor.u32 $0xD0000000, s2;
	s6 =	simm.s32 $0x108;
	_ =	swait.ge @!p0 [sflag:s8], $0x0  }
0x24: {  	s3 =	sadd.s32 $0x88, s3;
	s6 =	simm.s32 @!p1 $0x1082;
	[sflag:s4] =	ssyncset.s32 $0xFFFFF086  }
0x25: {  	[simem:s6], [sflag:s4] =	dma.local [hbm:s3], $0xF7A  }
0x26: {  	[smem:$0x3F7A] =	sst s1;
	(tag) =	ssettag s2;
	_ =	strace s9  }
0x27: {  	s1 =	sld [smem:$0x3F8A]  }
0x28: {  	s2 =	sld [smem:$0x3F8B]  }
0x29: {  	s4 =	sld [smem:$0x3F8D]  }
0x2a: {  	p0 =	seq.s32 s5, $0x0;
	s5 =	sld [smem:$0x3F8E]  }
0x2b: {  	s6 =	sld [smem:$0x3F8F]  }
0x2c: {  	s7 =	sld [smem:$0x3F90]  }
0x2d: {  	s3 =	simm.s32 $0x108;
	s8 =	sld [smem:$0x3F91]  }
0x2e: {  	s3 =	simm.s32 @!p0 $0x1082;
	s9 =	sld [smem:$0x3F92]  }
0x2f: {  	lr =	sadd.s32 s0, s3;
	s0 =	sld [smem:$0x3F89]  }
0x30: {  	s3 =	sld [smem:$0x3F8C]  }
0x31: {  	[smem:$0x3F95] =	sst s10  }
0x32: {  	s10 =	sld [smem:$0x3F93];
	_ =	sdelay $0x3  }
0x33: {  	p0 =	seq.s32 s10, $0x1;
	s10 =	sld [smem:$0x3F95];
	_ =	sdelay $0x3  }
0x34: {  	[smem:$0x3F95] =	sst s10  }
0x35: {  	s10 =	sld [smem:$0x3F94];
	_ =	sdelay $0x3  }
0x36: {  	p1 =	seq.s32 s10, $0x1;
	s10 =	sld [smem:$0x3F95];
	_ =	sdelay $0x3  }
0x37: {  	[smem:$0x3F95] =	sst s10  }
0x38: {  	s10 =	sld [smem:$0x3F96]  }
0x39: {  	_ = 	snop;
	(pc) =	sbr.ind lr, $3  }
0x3a: {  	_ = 	snop  }
0x3b: {  	_ = 	snop  }
0x3c: {  	p2 =	seq.s32 s10, $0x1;
	s10 =	sld [smem:$0x3F95]  }
0x3d: {  	_ =	shalt  }
0x3e: {  	_ =	shalt  }
0x3f: {  	_ =	shalt  }
0x40: {  	_ =	shalt  }
0x41: {  	_ =	shalt  }
0x42: {  	_ =	shalt  }
0x43: {  	_ =	shalt  }
0x44: {  	_ =	shalt  }
0x45: {  	_ =	shalt  }
0x46: {  	_ =	shalt  }
0x47: {  	_ =	shalt  }
0x48: {  	_ =	shalt  }
0x49: {  	_ =	shalt  }
0x4a: {  	_ =	shalt  }
0x4b: {  	_ =	shalt  }
0x4c: {  	_ =	shalt  }
0x4d: {  	_ =	shalt  }
0x4e: {  	_ =	shalt  }
0x4f: {  	_ =	shalt  }
0x50: {  	_ =	shalt  }
0x51: {  	_ =	shalt  }
0x52: {  	_ =	shalt  }
0x53: {  	_ =	shalt  }
0x54: {  	_ =	shalt  }
0x55: {  	_ =	shalt  }
0x56: {  	_ =	shalt  }
0x57: {  	_ =	shalt  }
0x58: {  	_ =	shalt  }
0x59: {  	_ =	shalt  }
0x5a: {  	_ =	shalt  }
0x5b: {  	_ =	shalt  }
0x5c: {  	_ =	shalt  }
0x5d: {  	_ =	shalt  }
0x5e: {  	_ =	shalt  }
0x5f: {  	_ =	shalt  }
0x60: {  	_ =	shalt  }
0x61: {  	_ =	shalt  }
0x62: {  	_ =	shalt  }
0x63: {  	_ =	shalt  }
0x64: {  	_ =	shalt  }
0x65: {  	_ =	shalt  }
0x66: {  	_ =	shalt  }
0x67: {  	_ =	shalt  }
0x68: {  	_ =	shalt  }
0x69: {  	_ =	shalt  }
0x6a: {  	_ =	shalt  }
0x6b: {  	_ =	shalt  }
0x6c: {  	_ =	shalt  }
0x6d: {  	_ =	shalt  }
0x6e: {  	_ =	shalt  }
0x6f: {  	_ =	shalt  }
0x70: {  	_ =	shalt  }
0x71: {  	_ =	shalt  }
0x72: {  	_ =	shalt  }
0x73: {  	_ =	shalt  }
0x74: {  	_ =	shalt  }
0x75: {  	_ =	shalt  }
0x76: {  	_ =	shalt  }
0x77: {  	_ =	shalt  }
0x78: {  	_ =	shalt  }
0x79: {  	_ =	shalt  }
0x7a: {  	_ =	shalt  }
0x7b: {  	_ =	shalt  }
0x7c: {  	_ =	shalt  }
0x7d: {  	_ =	shalt  }
0x7e: {  	_ =	shalt  }
0x7f: {  	_ =	shalt  }
0x80: {  	_ =	shalt  }
0x81: {  	_ =	shalt  }
0x82: {  	_ =	shalt  }
0x83: {  	_ =	shalt  }
0x84: {  	_ =	shalt  }
0x85: {  	_ =	shalt  }
0x86: {  	_ =	shalt  }
0x87: {  	_ =	shalt  }
.Lfunc_end0:
.L_simem_size_0:
called_computation_lowered:
.L_overlay_start_0:
0x88: {  	s2 =	sld [smem:$0x3FD9]  }
0x89: {  	s3 =	sld [smem:$0x3FFE];
	_ =	sdelay $0x1  }
0x8a: {  	s1 =	srdreg.scid  }
0x8b: {  	s0 =	sand.u32 $0x1, s1  }
0x8c: {  	s14 =	sshll.u32 s0, $0xA;
	s2 =	sadd.s32 s3, s2  }
0x8d: {  	s2 =	sadd.s32 s2, s14  }
0x8e: {  	[smem:$0x3FA1] =	sst s2  }
0x8f: {  	_ = 	snop  }
0x90: {  	s2 =	sld [smem:$0x3FD0];
	_ =	sdelay $0x2  }
0x91: {  	s15 =	simm.s32 $0xA;
	s4 =	simm.s32 $0x10  }
0x92: {  	[smem:s4], [sflag:s15] =	dma.local [hbm:s2], $0x1  }
0x93: {  	_ =	swait.eq [sflag:s15], $0x1  }
0x94: {  	[sflag:s15] =	ssyncset.done $0x0  }
0x95: {  	s16 =	sld [smem:$0x10];
	[sflag:s15] =	ssyncadd.s32 $0xFFFFFFFF  }
0x96: {  	s17 =	sld [smem:$0x11];
	(tm) =	ssettm $0x1  }
0x97: {  	s18 =	sld [smem:$0x3FFB];
	_ =	sdelay $0x3  }
0x98: {  	_ =	strace s18  }
0x99: {  	s4 =	sld [smem:$0x3FFC];
	_ =	sdelay $0x3  }
0x9a: {  	_ =	strace s4  }
0x9b: {  	s4 =	sld [smem:$0x3FFD];
	_ =	sdelay $0x3  }
0x9c: {  	_ =	strace s4  }
0x9d: {  	_ =	strace $0x8FFFFFFF  }
0x9e: {  	s19 =	sld [smem:$0x3FDB];
	_ =	sdelay $0x1  }
0x9f: {  	s5 =	simm.s32 $_scs_section_size  }
0xa0: {  	s6 =	simm.s32 $_size__tile_overlayer_lowered;
	s7 =	simm.s32 $_tile_overlayer_lowered  }
0xa1: {  	s22 =	simm.s32 $0x1BFF;
	s21 =	sshll.u32 s7, $0x1;
	s4 =	sadd.s32 s5, s19  }
0xa2: {  	s8 =	simm.s32 $0x0;
	s20 =	sshll.u32 s6, $0x1;
	s6 =	sadd.s32 s21, s4  }
0xa3: {  	[timem:s8], [sflag:s22] =	dma.local [hbm:s6], s20  }
0xa4: {  	_ =	swait.ge [sflag:s22], s20  }
0xa5: {  	s5 =	ssub.s32 $0x0, s20;
	[sflag:s22] =	ssyncset.done $0x0  }
0xa6: {  	[sflag:s22] =	ssyncadd.s32 s5;
	_ =	sdelay $0x1  }
0xa7: {  	s23 =	simm.s32 $0x1B8B  }
0xa8: {  	_ =	swait.ge [sflag:s23], $0x1  }
0xa9: {  	[sflag:s23] =	ssyncset.done $0x0  }
0xaa: {  	s25 =	simm.s32 $0x1B8E;
	s24 =	sld [smem:$0x3FFE];
	[sflag:s23] =	ssyncadd.s32 $0xFFFFFFFF  }
0xab: {  	s26 =	simm.s32 $execute0_lowered;
	[smem:$0x3FD2] =	sst s25  }
0xac: {  	s6 =	sshll.u32 s26, $0x1;
	_ =	strace $0x80000046;
	[dreg:$0x1] =	wrdreg $0xFFFFFFFF  }
0xad: {  	s28 =	simm.s32 $_size_execute0_lowered;
	s4 =	sadd.s32 s4, s6;
	[dreg:$0x0] =	wrdreg $0x0  }
0xae: {  	s6 =	sshll.u32 s28, $0x1;
	[dreg:$0x2] =	wrdreg s4  }
0xaf: {  	[dreg:$0x3] =	wrdreg s6  }
0xb0: {  	[dreg:$0x4] =	wrdreg $0xC0  }
0xb1: {  	_ =	task [dreg:s8], $0x5FFFF  }
0xb2: {  	[dreg:$0x1] =	wrdreg $0xFFFFFFFF  }
0xb3: {  	[dreg:$0x0] =	wrdreg $0x60  }
0xb4: {  	[dreg:$0x2] =	wrdreg s24  }
0xb5: {  	[dreg:$0x3] =	wrdreg s16  }
0xb6: {  	[dreg:$0x4] =	wrdreg s17  }
0xb7: {  	[dreg:$0x5] =	wrdreg $0x9  }
0xb8: {  	_ =	task.clear_ibuf [dreg:s8], $0x6FFFF;
	_ =	strace $0x90000046  }
0xb9: {  	s29 =	simm.s32 $0x9;
	_ =	strace $0x80000048  }
0xba: {  	_ =	swait.ge [sflag:s29], $0x1  }
0xbb: {  	[sflag:s29] =	ssyncadd.s32 $0xFFFFFFFF  }
0xbc: {  	_ =	strace $0x90000048  }
0xbd: {  	_ =	sfence  }
0xbe: {  	s30 =	sld [smem:$0x0];
	_ =	sdelay $0x2  }
0xbf: {  	s31 =	sshll.u32 s1, $0xD;
	s1 =	sshrl.u32 s1, $0x2  }
0xc0: {  	s3 =	sand.u32 $0x4000, s31;
	s1 =	sadd.s32 s1, s30  }
0xc1: {  	s0 =	sor.u32 s3, s0;
	s1 =	sshll.u32 s1, $0x11  }
0xc2: {  	s0 =	sor.u32 s1, s0  }
0xc3: {  	s0 =	sadd.s32 $0x8F2B, s0  }
0xc4: {  	[sflag:s0] =	ssyncadd.remote.s32 $0x1  }
0xc5: {  	_ =	sfence.sel $0xFFFF  }
0xc6: {  	[dreg:$0x0] =	wrdreg $0xFFFFFFFF;
	(pc) =	sbr.abs _section_cstart, $3  }
0xc7: {  	[dreg:$0x1] =	wrdreg $0xFFFFFFFF  }
0xc8: {  	_ =	task.clear_ibuf [dreg:s8], $0x2FFFF;
	_ =	strace $0x9FFFFFFF  }
0xc9: {  	(tm) =	ssettm $0x7FFFFFFF  }
tec
execute0_lowered:
.L_overlay_start_1:
0x0: {  	(tag) =	ssettag $0x1  }
0x1: {  	s4 =	rddreg [dreg:$0x0]  }
0x2: {  	s8 =	rddreg [dreg:$0x1]  }
0x3: {  	s7 =	rddreg [dreg:$0x2]  }
0x4: {  	s1 =	srdreg.scid;
	s0 =	rddreg [dreg:$0x3]  }
0x5: {  	s2 =	simm.s32 $0x0;
	s13 =	simm.s32 $0x2900;
	s14 =	simm.s32 $0x1  }
0x6: {  	s15 =	simm.s32 $0x2;
	s3 =	sand.u32 $0x1, s1;
	[smem:$0x7FF] =	sst s2  }
0x7: {  	s16 =	simm.s32 $0x0;
	s1 =	stileid.u32;
	s5 =	smul.u32 $0x271000, s3  }
0x8: {  	s6 =	smul.u32 $0x27100, s3;
	_ =	strace $0x80000047;
	s9 =	ssub.s32 $0x2, s3  }
0x9: {  	s10 =	smul.u32 $0x2710, s1;
	s3 =	sadd.s32 $0x55A00, s4;
	s11 =	sshrl.u32 s9, $0x1  }
0xa: {  	s12 =	smul.u32 $0x27100, s1;
	s5 =	sadd.s32 s5, s4;
	s30 =	ssub.s32 s9, s11  }
0xb: {  	s6 =	sadd.s32 s10, s6;
	s9 =	simm.s32 $0x3;
	s11 =	simm.s32 $0x50  }
0xc: {  	s4 =	smax.u32 s30, $0x1;
	s31 =	sadd.s32 s12, s5;
	s10 =	sshrl.u32 s6, $0x3  }
0xd: {  	s12 =	simm.s32 $0x100;
	s5 =	sadd.s32 $0x7CC00, s31;
	s6 =	sadd.s32 $0x55EC00, s31  }
0xe: {  	s7 =	sadd.s32 s10, s7;
	s8 =	sadd.s32 s10, s8;
	s10 =	simm.s32 $0x80  }
.LBB2_1:
0xf: {  	s17 =	sadd.s32 $0x0, s8  }
0x10: {  	[tilespmem:s2], [sflag:$0x3] =	stream.linear.gather [hbm4b:s17+s2], $0x50, $0x38;
	[tilespmem:$0x5100] =	vst v63  }
0x11: {  	_ =	swait.ge [sflag:s9], $0x50  }
0x12: {  	[sflag:s9] =	ssyncset.done $0x0  }
0x13: {  	s31 =	sadd.s32 $0x0, s7;
	[sflag:s9] =	ssyncadd.s32 $0xFFFFFFB0  }
0x14: {  	[tilespmem:s10], [sflag:$0x3] =	stream.linear.gather [hbm4b:s31+s2], $0x50, $0x38;
	[tilespmem:$0x5100] =	vst v63  }
0x15: {  	_ =	swait.ge [sflag:s9], $0x50  }
0x16: {  	[sflag:s9] =	ssyncset.done $0x0  }
0x17: {  	[sflag:s9] =	ssyncadd.s32 $0xFFFFFFB0  }
0x18: {  	[tilespmem:s12], [sflag:$0x1] =	stream.indirect.gather [hbm4b:s3+s11], $0x80, s2, s11, $0xb8;
	[tilespmem:$0x5100] =	vst v63  }
0x19: {  	_ = 	snop  }
0x1a: {  	[tilespmem:s13], [sflag:$0x2] =	stream.indirect.gather [hbm4b:s3+s11], $0x80, s10, s11, $0xb8;
	[tilespmem:$0x5100] =	vst v63  }
0x1b: {  	_ =	swait.ge [sflag:s14], $0x2800  }
0x1c: {  	[sflag:s14] =	ssyncset.done $0x0  }
0x1d: {  	[sflag:s14] =	ssyncadd.s32 $0xFFFFD800  }
0x1e: {  	[hbm4b:s5+s2] =	stream.linear.scatter [tilespmem:s12], [sflag:$0x3], $0x2800, $0x38;
	[tilespmem:$0x5100] =	vst v63  }
0x1f: {  	_ =	swait.ge [sflag:s9], $0x2800  }
0x20: {  	[sflag:s9] =	ssyncset.done $0x0  }
0x21: {  	[sflag:s9] =	ssyncadd.s32 $0xFFFFD800  }
0x22: {  	_ =	swait.ge [sflag:s15], $0x2800  }
0x23: {  	[sflag:s15] =	ssyncset.done $0x0  }
0x24: {  	[sflag:s15] =	ssyncadd.s32 $0xFFFFD800  }
0x25: {  	[hbm4b:s6+s2] =	stream.linear.scatter [tilespmem:s13], [sflag:$0x3], $0x2800, $0x38;
	[tilespmem:$0x5100] =	vst v63  }
0x26: {  	s19 =	simm.s32 $0xA;
	s20 =	simm.s32 $0x14;
	_ =	swait.ge [sflag:s9], $0x2800  }
0x27: {  	s18 =	sadd.s32 $0x500, s5;
	s17 =	sadd.s32 $0x500, s6;
	[sflag:s9] =	ssyncset.done $0x0  }
.LBB2_2:
0x28: {  	s21 =	sadd.s32 s19, s8  }
0x29: {  	[sflag:s9] =	ssyncadd.s32 $0xFFFFD800;
	s22 =	smov.u32 s20;
	s23 =	sadd.s32 $0xA, s20  }
0x2a: {  	[tilespmem:s2], [sflag:$0x3] =	stream.linear.gather [hbm4b:s21+s2], $0x50, $0x38;
	[tilespmem:$0x5100] =	vst v63  }
0x2b: {  	p0 =	sne.s32 s20, $0x4D8;
	_ =	swait.ge [sflag:s9], $0x50  }
0x2c: {  	[sflag:s9] =	ssyncset.done $0x0  }
0x2d: {  	s20 =	sadd.s32 s19, s7;
	s19 =	smov.u32 s22;
	[sflag:s9] =	ssyncadd.s32 $0xFFFFFFB0  }
0x2e: {  	[tilespmem:s10], [sflag:$0x3] =	stream.linear.gather [hbm4b:s20+s2], $0x50, $0x38;
	[tilespmem:$0x5100] =	vst v63  }
0x2f: {  	_ =	swait.ge [sflag:s9], $0x50  }
0x30: {  	[sflag:s9] =	ssyncset.done $0x0  }
0x31: {  	[sflag:s9] =	ssyncadd.s32 $0xFFFFFFB0  }
0x32: {  	[tilespmem:s12], [sflag:$0x1] =	stream.indirect.gather [hbm4b:s3+s11], $0x80, s2, s11, $0xb8;
	[tilespmem:$0x5100] =	vst v63  }
0x33: {  	_ = 	snop  }
0x34: {  	[tilespmem:s13], [sflag:$0x2] =	stream.indirect.gather [hbm4b:s3+s11], $0x80, s10, s11, $0xb8;
	[tilespmem:$0x5100] =	vst v63  }
0x35: {  	_ =	swait.ge [sflag:s14], $0x2800  }
0x36: {  	[sflag:s14] =	ssyncset.done $0x0  }
0x37: {  	[sflag:s14] =	ssyncadd.s32 $0xFFFFD800  }
0x38: {  	[hbm4b:s18+s2] =	stream.linear.scatter [tilespmem:s12], [sflag:$0x3], $0x2800, $0x38;
	[tilespmem:$0x5100] =	vst v63  }
0x39: {  	_ =	swait.ge [sflag:s9], $0x2800  }
0x3a: {  	[sflag:s9] =	ssyncset.done $0x0  }
0x3b: {  	[sflag:s9] =	ssyncadd.s32 $0xFFFFD800  }
0x3c: {  	_ =	swait.ge [sflag:s15], $0x2800  }
.Ltmp0:
0x3d: {  	[sflag:s15] =	ssyncset.done $0x0;
	(pc) =	sbr.rel @p0 .LBB2_2-.Ltmp0, $4  }
0x3e: {  	[sflag:s15] =	ssyncadd.s32 $0xFFFFD800  }
0x3f: {  	[hbm4b:s17+s2] =	stream.linear.scatter [tilespmem:s13], [sflag:$0x3], $0x2800, $0x38;
	[tilespmem:$0x5100] =	vst v63  }
0x40: {  	s20 =	smov.u32 s23;
	_ =	swait.ge [sflag:s9], $0x2800  }
0x41: {  	s18 =	sadd.s32 $0x500, s18;
	s17 =	sadd.s32 $0x500, s17;
	[sflag:s9] =	ssyncset.done $0x0  }
0x42: {  	s20 =	sadd.s32 s19, s8;
	[sflag:s9] =	ssyncadd.s32 $0xFFFFD800  }
0x43: {  	[tilespmem:s2], [sflag:$0x3] =	stream.linear.gather [hbm4b:s20+s2], $0x50, $0x38;
	[tilespmem:$0x5100] =	vst v63  }
0x44: {  	_ =	swait.ge [sflag:s9], $0x50  }
0x45: {  	[sflag:s9] =	ssyncset.done $0x0  }
0x46: {  	s31 =	sadd.s32 s19, s7;
	[sflag:s9] =	ssyncadd.s32 $0xFFFFFFB0  }
0x47: {  	[tilespmem:s10], [sflag:$0x3] =	stream.linear.gather [hbm4b:s31+s2], $0x50, $0x38;
	[tilespmem:$0x5100] =	vst v63  }
0x48: {  	_ =	swait.ge [sflag:s9], $0x50  }
0x49: {  	[sflag:s9] =	ssyncset.done $0x0  }
0x4a: {  	[sflag:s9] =	ssyncadd.s32 $0xFFFFFFB0  }
0x4b: {  	[tilespmem:s12], [sflag:$0x1] =	stream.indirect.gather [hbm4b:s3+s11], $0x80, s2, s11, $0xb8;
	[tilespmem:$0x5100] =	vst v63  }
0x4c: {  	_ = 	snop  }
0x4d: {  	[tilespmem:s13], [sflag:$0x2] =	stream.indirect.gather [hbm4b:s3+s11], $0x80, s10, s11, $0xb8;
	[tilespmem:$0x5100] =	vst v63  }
0x4e: {  	_ =	swait.ge [sflag:s14], $0x2800  }
0x4f: {  	[sflag:s14] =	ssyncset.done $0x0  }
0x50: {  	[sflag:s14] =	ssyncadd.s32 $0xFFFFD800  }
0x51: {  	[hbm4b:s18+s2] =	stream.linear.scatter [tilespmem:s12], [sflag:$0x3], $0x2800, $0x38;
	[tilespmem:$0x5100] =	vst v63  }
0x52: {  	_ =	swait.ge [sflag:s9], $0x2800  }
0x53: {  	[sflag:s9] =	ssyncset.done $0x0  }
0x54: {  	[sflag:s9] =	ssyncadd.s32 $0xFFFFD800  }
0x55: {  	s16 =	sadd.s32 $0x1, s16;
	_ =	swait.ge [sflag:s15], $0x2800  }
0x56: {  	p0 =	sne.s32 s16, s4;
	[sflag:s15] =	ssyncset.done $0x0  }
.Ltmp1:
0x57: {  	[sflag:s15] =	ssyncadd.s32 $0xFFFFD800;
	(pc) =	sbr.rel @p0 .LBB2_1-.Ltmp1, $4  }
0x58: {  	[hbm4b:s17+s2] =	stream.linear.scatter [tilespmem:s13], [sflag:$0x3], $0x2800, $0x38;
	[tilespmem:$0x5100] =	vst v63  }
0x59: {  	_ =	swait.ge [sflag:s9], $0x2800  }
0x5a: {  	[sflag:s9] =	ssyncset.done $0x0  }
0x5b: {  	[sflag:s9] =	ssyncadd.s32 $0xFFFFD800  }
0x5c: {  	_ =	sfence.sel $0x180000  }
0x5d: {  	[bflag:$0x0] =	sbarrier.arrive $0xFFFF  }
0x5e: {  	p0 =	sne.s32 s1, $0x0;
	_ =	strace $0x90000047  }
0x5f: {  	s0 =	sadd.s32 @!p0 $0x100000, s0;
	[bflag:$0x2] =	sbarrier.arrive $0xFFFF  }
0x60: {  	[sflag:s0] =	ssyncadd.tile.s32 @!p0 $0x1;
	_ =	shalt  }
.Lfunc_end2:
_tile_overlayer_lowered:
.L_overlay_start_2:
0x61: {  	(tag) =	ssettag $0x2  }
0x62: {  	s0 =	rddreg [dreg:$0x0];
	s2 =	stileid.u32  }
0x63: {  	s1 =	rddreg [dreg:$0x1];
	p0 =	sne.s32 s2, $0x0  }
0x64: {  	s3 =	rddreg [dreg:$0x2];
	[bflag:$0x3] =	sbarrier.arrive $0xFFFF;
	s2 =	simm.s32 @!p0 $0x1C03  }
0x65: {  	[timem:s3], [sflag:s2] =	dma.local @!p0 [hbm:s0], s1  }
0x66: {  	s0 =	simm.s32 @!p0 $0x3  }
0x67: {  	_ =	swait.ge @!p0 [sflag:s0], s1  }
0x68: {  	s1 =	ssub.s32 @!p0 $0x0, s1;
	[sflag:s0] =	ssyncset.done @!p0 $0x0  }
0x69: {  	[sflag:s0] =	ssyncadd.s32 @!p0 s1  }
0x6a: {  	[bflag:$0x3] =	sbarrier.arrive $0xFFFF  }
0x6b: {  	_ =	shalt  }

// kernel: kernel.9.cloned.1.call-start
scs
__scs_entry_jumppad:
0x0: {  	(pc) =	sbr.rel $0x88, $3  }
0x1: {  	(tag) =	ssettag $0x0;
	lr =	simm.s32 $0x1  }
0x2: {  	[smem:$0x3F7A] =	sst lr;
	_ =	strace $0xD0000000  }
0x3: {  	_ = 	snop  }
0x4: {  	_ = 	snop  }
0x5: {  	_ = 	snop  }
0x6: {  	_ = 	snop  }
0x7: {  	_ = 	snop  }
__scs_overlays_trampoline_lowered:
0x8: {  	[smem:$0x3F89] =	sst s0  }
0x9: {  	[smem:$0x3F8A] =	sst s1  }
0xa: {  	[smem:$0x3F8B] =	sst s2  }
0xb: {  	[smem:$0x3F8C] =	sst s3  }
0xc: {  	[smem:$0x3F8D] =	sst s4  }
0xd: {  	[smem:$0x3F8E] =	sst s5  }
0xe: {  	[smem:$0x3F8F] =	sst s6  }
0xf: {  	[smem:$0x3F90] =	sst s7  }
0x10: {  	[smem:$0x3F91] =	sst s8  }
0x11: {  	[smem:$0x3F92] =	sst s9;
	s0 =	simm.s32 @!p0 $0x0  }
0x12: {  	s1 =	sld [smem:$0x3F78];
	s0 =	simm.s32 @p0 $0x1  }
0x13: {  	[smem:$0x3F93] =	sst s0;
	s0 =	simm.s32 @!p1 $0x0  }
0x14: {  	s2 =	sld [smem:$0x3F77];
	s0 =	simm.s32 @p1 $0x1  }
0x15: {  	[smem:$0x3F94] =	sst s0;
	s0 =	simm.s32 @!p2 $0x0  }
0x16: {  	s3 =	sld [smem:$0x3FDB];
	s0 =	simm.s32 @p2 $0x1  }
0x17: {  	s4 =	simm.s32 $0x1BF5;
	[smem:$0x3F96] =	sst s0  }
0x18: {  	s0 =	sld [smem:$0x3F79];
	_ =	swait.ge [sflag:s4], $0x0  }
0x19: {  	s7 =	sld [smem:$0x3F7A]  }
0x1a: {  	s8 =	sadd.s32 $0xFFFFE003, lr  }
0x1b: {  	s9 =	sadd.s32 $0xFFFFFEF7, lr;
	s5 =	simm.s32 $0xFFFFFFFF;
	p2 =	slt.u32 s8, $0xFFFFF086  }
0x1c: {  	p1 =	slt.u32 s9, $0xF7A;
	s5 =	simm.s32 @!p2 $0x0  }
0x1d: {  	s5 =	simm.s32 @p1 $0x1;
	p0 =	seq.s32 s7, s2  }
0x1e: {  	s7 =	smul.u32 @!p0 $0xF7A, s2;
	p2 =	seq.s32 @!p0 s5, $0x0  }
0x1f: {  	s9 =	smul.u32 $0xF7A, s1;
	s8 =	simm.s32 @!p0 $0x1BF5;
	p2 =	por !p2, p0  }
0x20: {  	[sflag:s8] =	ssyncset.s32 @!p0 $0xFFFFF086;
	s6 =	sadd.s32 @!p0 s3, s7;
	s7 =	simm.s32 @!p0 $0x108  }
0x21: {  	s3 =	sadd.s32 s3, s9;
	s6 =	sadd.s32 @!p0 $0x88, s6;
	s7 =	simm.s32 @p2 $0x1082  }
0x22: {  	[simem:s7], [sflag:s8] =	dma.local @!p0 [hbm:s6], $0xF7A  }
0x23: {  	s9 =	sor.u32 $0xD0000000, s2;
	s6 =	simm.s32 $0x108;
	_ =	swait.ge @!p0 [sflag:s8], $0x0  }
0x24: {  	s3 =	sadd.s32 $0x88, s3;
	s6 =	simm.s32 @!p1 $0x1082;
	[sflag:s4] =	ssyncset.s32 $0xFFFFF086  }
0x25: {  	[simem:s6], [sflag:s4] =	dma.local [hbm:s3], $0xF7A  }
0x26: {  	[smem:$0x3F7A] =	sst s1;
	(tag) =	ssettag s2;
	_ =	strace s9  }
0x27: {  	s1 =	sld [smem:$0x3F8A]  }
0x28: {  	s2 =	sld [smem:$0x3F8B]  }
0x29: {  	s4 =	sld [smem:$0x3F8D]  }
0x2a: {  	p0 =	seq.s32 s5, $0x0;
	s5 =	sld [smem:$0x3F8E]  }
0x2b: {  	s6 =	sld [smem:$0x3F8F]  }
0x2c: {  	s7 =	sld [smem:$0x3F90]  }
0x2d: {  	s3 =	simm.s32 $0x108;
	s8 =	sld [smem:$0x3F91]  }
0x2e: {  	s3 =	simm.s32 @!p0 $0x1082;
	s9 =	sld [smem:$0x3F92]  }
0x2f: {  	lr =	sadd.s32 s0, s3;
	s0 =	sld [smem:$0x3F89]  }
0x30: {  	s3 =	sld [smem:$0x3F8C]  }
0x31: {  	[smem:$0x3F95] =	sst s10  }
0x32: {  	s10 =	sld [smem:$0x3F93];
	_ =	sdelay $0x3  }
0x33: {  	p0 =	seq.s32 s10, $0x1;
	s10 =	sld [smem:$0x3F95];
	_ =	sdelay $0x3  }
0x34: {  	[smem:$0x3F95] =	sst s10  }
0x35: {  	s10 =	sld [smem:$0x3F94];
	_ =	sdelay $0x3  }
0x36: {  	p1 =	seq.s32 s10, $0x1;
	s10 =	sld [smem:$0x3F95];
	_ =	sdelay $0x3  }
0x37: {  	[smem:$0x3F95] =	sst s10  }
0x38: {  	s10 =	sld [smem:$0x3F96]  }
0x39: {  	_ = 	snop;
	(pc) =	sbr.ind lr, $3  }
0x3a: {  	_ = 	snop  }
0x3b: {  	_ = 	snop  }
0x3c: {  	p2 =	seq.s32 s10, $0x1;
	s10 =	sld [smem:$0x3F95]  }
0x3d: {  	_ =	shalt  }
0x3e: {  	_ =	shalt  }
0x3f: {  	_ =	shalt  }
0x40: {  	_ =	shalt  }
0x41: {  	_ =	shalt  }
0x42: {  	_ =	shalt  }
0x43: {  	_ =	shalt  }
0x44: {  	_ =	shalt  }
0x45: {  	_ =	shalt  }
0x46: {  	_ =	shalt  }
0x47: {  	_ =	shalt  }
0x48: {  	_ =	shalt  }
0x49: {  	_ =	shalt  }
0x4a: {  	_ =	shalt  }
0x4b: {  	_ =	shalt  }
0x4c: {  	_ =	shalt  }
0x4d: {  	_ =	shalt  }
0x4e: {  	_ =	shalt  }
0x4f: {  	_ =	shalt  }
0x50: {  	_ =	shalt  }
0x51: {  	_ =	shalt  }
0x52: {  	_ =	shalt  }
0x53: {  	_ =	shalt  }
0x54: {  	_ =	shalt  }
0x55: {  	_ =	shalt  }
0x56: {  	_ =	shalt  }
0x57: {  	_ =	shalt  }
0x58: {  	_ =	shalt  }
0x59: {  	_ =	shalt  }
0x5a: {  	_ =	shalt  }
0x5b: {  	_ =	shalt  }
0x5c: {  	_ =	shalt  }
0x5d: {  	_ =	shalt  }
0x5e: {  	_ =	shalt  }
0x5f: {  	_ =	shalt  }
0x60: {  	_ =	shalt  }
0x61: {  	_ =	shalt  }
0x62: {  	_ =	shalt  }
0x63: {  	_ =	shalt  }
0x64: {  	_ =	shalt  }
0x65: {  	_ =	shalt  }
0x66: {  	_ =	shalt  }
0x67: {  	_ =	shalt  }
0x68: {  	_ =	shalt  }
0x69: {  	_ =	shalt  }
0x6a: {  	_ =	shalt  }
0x6b: {  	_ =	shalt  }
0x6c: {  	_ =	shalt  }
0x6d: {  	_ =	shalt  }
0x6e: {  	_ =	shalt  }
0x6f: {  	_ =	shalt  }
0x70: {  	_ =	shalt  }
0x71: {  	_ =	shalt  }
0x72: {  	_ =	shalt  }
0x73: {  	_ =	shalt  }
0x74: {  	_ =	shalt  }
0x75: {  	_ =	shalt  }
0x76: {  	_ =	shalt  }
0x77: {  	_ =	shalt  }
0x78: {  	_ =	shalt  }
0x79: {  	_ =	shalt  }
0x7a: {  	_ =	shalt  }
0x7b: {  	_ =	shalt  }
0x7c: {  	_ =	shalt  }
0x7d: {  	_ =	shalt  }
0x7e: {  	_ =	shalt  }
0x7f: {  	_ =	shalt  }
0x80: {  	_ =	shalt  }
0x81: {  	_ =	shalt  }
0x82: {  	_ =	shalt  }
0x83: {  	_ =	shalt  }
0x84: {  	_ =	shalt  }
0x85: {  	_ =	shalt  }
0x86: {  	_ =	shalt  }
0x87: {  	_ =	shalt  }
.Lfunc_end0:
.L_simem_size_0:
called_computation.1_lowered:
.L_overlay_start_0:
0x88: {  	s2 =	sld [smem:$0x3FD9]  }
0x89: {  	s3 =	sld [smem:$0x3FFE];
	_ =	sdelay $0x1  }
0x8a: {  	s1 =	srdreg.scid  }
0x8b: {  	s0 =	sand.u32 $0x1, s1  }
0x8c: {  	s14 =	sshll.u32 s0, $0xA;
	s2 =	sadd.s32 s3, s2  }
0x8d: {  	s2 =	sadd.s32 s2, s14  }
0x8e: {  	[smem:$0x3FA1] =	sst s2  }
0x8f: {  	_ = 	snop  }
0x90: {  	s2 =	sld [smem:$0x3FD0];
	_ =	sdelay $0x2  }
0x91: {  	s15 =	simm.s32 $0xA;
	s4 =	simm.s32 $0x10  }
0x92: {  	[smem:s4], [sflag:s15] =	dma.local [hbm:s2], $0x1  }
0x93: {  	_ =	swait.eq [sflag:s15], $0x1  }
0x94: {  	[sflag:s15] =	ssyncset.done $0x0  }
0x95: {  	s16 =	sld [smem:$0x10];
	[sflag:s15] =	ssyncadd.s32 $0xFFFFFFFF  }
0x96: {  	s17 =	sld [smem:$0x11];
	(tm) =	ssettm $0x1  }
0x97: {  	s18 =	sld [smem:$0x3FFB];
	_ =	sdelay $0x3  }
0x98: {  	_ =	strace s18  }
0x99: {  	s4 =	sld [smem:$0x3FFC];
	_ =	sdelay $0x3  }
0x9a: {  	_ =	strace s4  }
0x9b: {  	s4 =	sld [smem:$0x3FFD];
	_ =	sdelay $0x3  }
0x9c: {  	_ =	strace s4  }
0x9d: {  	_ =	strace $0x8FFFFFFF  }
0x9e: {  	s19 =	sld [smem:$0x3FDB];
	_ =	sdelay $0x1  }
0x9f: {  	s5 =	simm.s32 $_scs_section_size  }
0xa0: {  	s6 =	simm.s32 $_size__tile_overlayer_lowered;
	s7 =	simm.s32 $_tile_overlayer_lowered  }
0xa1: {  	s22 =	simm.s32 $0x1BFF;
	s21 =	sshll.u32 s7, $0x1;
	s4 =	sadd.s32 s5, s19  }
0xa2: {  	s8 =	simm.s32 $0x0;
	s20 =	sshll.u32 s6, $0x1;
	s6 =	sadd.s32 s21, s4  }
0xa3: {  	[timem:s8], [sflag:s22] =	dma.local [hbm:s6], s20  }
0xa4: {  	_ =	swait.ge [sflag:s22], s20  }
0xa5: {  	s5 =	ssub.s32 $0x0, s20;
	[sflag:s22] =	ssyncset.done $0x0  }
0xa6: {  	[sflag:s22] =	ssyncadd.s32 s5;
	_ =	sdelay $0x1  }
0xa7: {  	s23 =	simm.s32 $0x1B8B  }
0xa8: {  	_ =	swait.ge [sflag:s23], $0x1  }
0xa9: {  	[sflag:s23] =	ssyncset.done $0x0  }
0xaa: {  	s25 =	simm.s32 $0x1B8E;
	s24 =	sld [smem:$0x3FFE];
	[sflag:s23] =	ssyncadd.s32 $0xFFFFFFFF  }
0xab: {  	s26 =	simm.s32 $execute0_lowered;
	[smem:$0x3FD2] =	sst s25  }
0xac: {  	s6 =	sshll.u32 s26, $0x1;
	_ =	strace $0x80000049;
	[dreg:$0x1] =	wrdreg $0xFFFFFFFF  }
0xad: {  	s28 =	simm.s32 $_size_execute0_lowered;
	s4 =	sadd.s32 s4, s6;
	[dreg:$0x0] =	wrdreg $0x0  }
0xae: {  	s6 =	sshll.u32 s28, $0x1;
	[dreg:$0x2] =	wrdreg s4  }
0xaf: {  	[dreg:$0x3] =	wrdreg s6  }
0xb0: {  	[dreg:$0x4] =	wrdreg $0xC0  }
0xb1: {  	_ =	task [dreg:s8], $0x5FFFF  }
0xb2: {  	[dreg:$0x1] =	wrdreg $0xFFFFFFFF  }
0xb3: {  	[dreg:$0x0] =	wrdreg $0x60  }
0xb4: {  	[dreg:$0x2] =	wrdreg s24  }
0xb5: {  	[dreg:$0x3] =	wrdreg s17  }
0xb6: {  	[dreg:$0x4] =	wrdreg s16  }
0xb7: {  	[dreg:$0x5] =	wrdreg $0x28800  }
0xb8: {  	[dreg:$0x6] =	wrdreg $0x9  }
0xb9: {  	_ =	task.clear_ibuf [dreg:s8], $0x7FFFF;
	_ =	strace $0x90000049  }
0xba: {  	s29 =	simm.s32 $0x9;
	_ =	strace $0x8000004B  }
0xbb: {  	_ =	swait.ge [sflag:s29], $0x1  }
0xbc: {  	[sflag:s29] =	ssyncadd.s32 $0xFFFFFFFF  }
0xbd: {  	_ =	strace $0x9000004B  }
0xbe: {  	_ =	sfence  }
0xbf: {  	s30 =	sld [smem:$0x0];
	_ =	sdelay $0x2  }
0xc0: {  	s31 =	sshll.u32 s1, $0xD;
	s1 =	sshrl.u32 s1, $0x2  }
0xc1: {  	s3 =	sand.u32 $0x4000, s31;
	s1 =	sadd.s32 s1, s30  }
0xc2: {  	s0 =	sor.u32 s3, s0;
	s1 =	sshll.u32 s1, $0x11  }
0xc3: {  	s0 =	sor.u32 s1, s0  }
0xc4: {  	s0 =	sadd.s32 $0x8F2B, s0  }
0xc5: {  	[sflag:s0] =	ssyncadd.remote.s32 $0x1  }
0xc6: {  	_ =	sfence.sel $0xFFFF  }
0xc7: {  	[dreg:$0x0] =	wrdreg $0xFFFFFFFF;
	(pc) =	sbr.abs _section_cstart, $3  }
0xc8: {  	[dreg:$0x1] =	wrdreg $0xFFFFFFFF  }
0xc9: {  	_ =	task.clear_ibuf [dreg:s8], $0x2FFFF;
	_ =	strace $0x9FFFFFFF  }
0xca: {  	(tm) =	ssettm $0x7FFFFFFF  }
0xcb: {  	_ =	shalt  }
tec
execute0_lowered:
.L_overlay_start_1:
0x0: {  	(tag) =	ssettag $0x1  }
0x1: {  	s5 =	rddreg [dreg:$0x0]  }
0x2: {  	s10 =	rddreg [dreg:$0x1]  }
0x3: {  	s2 =	rddreg [dreg:$0x2]  }
0x4: {  	s3 =	rddreg [dreg:$0x3]  }
0x5: {  	s0 =	rddreg [dreg:$0x4];
	s1 =	stileid.u32  }
0x6: {  	s4 =	simm.s32 $0x0;
	s7 =	srdreg.scid;
	s6 =	smul.u32 $0x4E200, s1  }
0x7: {  	s14 =	simm.s32 $0x50;
	s15 =	simm.s32 $0x0;
	s8 =	smul.u32 $0x2800, s1  }
0x8: {  	[smem:$0x7FF] =	sst s4;
	s7 =	sand.u32 $0x1, s7;
	s12 =	smul.u32 $0x50000, s1  }
0x9: {  	s30 =	sshll.u32 s1, $0x6;
	s31 =	smul.u32 $0x9C4, s1;
	_ =	strace $0x8000004A  }
0xa: {  	s9 =	smul.u32 $0x28000, s7;
	s26 =	ssub.s32 $0x2, s7;
	p0 =	seq.s32 s7, $0x1  }
0xb: {  	s11 =	sadd.s32 s6, s5;
	s13 =	sadd.s32 s8, s5;
	s28 =	sshrl.u32 s26, $0x1  }
.Ltmp0:
0xc: {  	s29 =	sshrl.u32 s12, $0x2;
	s6 =	sor.u32 $0x1C01, s30;
	(pc) =	sbr.rel .LBB2_1-.Ltmp0, $4  }
0xd: {  	s10 =	sadd.s32 s31, s10;
	s8 =	sadd.s32 s8, s9;
	s9 =	ssub.s32 s26, s28  }
0xe: {  	s12 =	sadd.s32 s29, s3;
	s8 =	sadd.s32 s8, s5;
	s5 =	sadd.s32 $0x55A00, s13  }
0xf: {  	s13 =	simm.s32 $0x80;
	s7 =	sadd.s32 $0x7DA00, s8;
	s8 =	smax.u32 s9, $0x1  }
0x10: {  	s9 =	sadd.s32 $0xA44E00, s11;
	s11 =	sshrl.u32 s12, $0x3;
	s12 =	simm.s32 $0x1  }
.LBB2_7:
0x11: {  	s16 =	sadd.s32 s16, s10;
	[sflag:s12] =	ssyncadd.s32 $0xFFFFD800  }
0x12: {  	[tilespmem:s4], [sflag:$0x1] =	stream.linear.gather [hbm4b:s16+s4], $0x50, $0x38;
	[tilespmem:$0x16880] =	vst v63  }
0x13: {  	_ =	swait.ge [sflag:s12], $0x50  }
0x14: {  	[sflag:s12] =	ssyncset.done $0x0  }
0x15: {  	[sflag:s12] =	ssyncadd.s32 $0xFFFFFFB0  }
0x16: {  	[spmem:s3] =	stream.indirect.scatter.add.f32 [tilespmem:s13], [sflag:$0x1], $0x80, s4, s14, $0xb8;
	[tilespmem:$0x16880] =	vst v63  }
0x17: {  	_ =	swait.ge [sflag:s12], $0x2800  }
0x18: {  	[sflag:s12] =	ssyncset.done $0x0  }
0x19: {  	[sflag:s12] =	ssyncadd.s32 $0xFFFFD800  }
.LBB2_8:
0x1a: {  	s15 =	sadd.s32 $0x1, s15  }
0x1b: {  	p1 =	sne.s32 s15, s8  }
.Ltmp1:
0x1c: {  	[bflag:$0x0] =	sbarrier.arrive $0xFFFF;
	(pc) =	sbr.rel @!p1 .LBB2_9-.Ltmp1, $4  }
0x1d: {  	[hbm:s7], [sflag:s6] =	dma.local [spmem:s11], $0x2800  }
0x1e: {  	_ =	swait.ge [sflag:s12], $0x2800  }
0x1f: {  	[sflag:s12] =	ssyncset.done $0x0  }
0x20: {  	[sflag:s12] =	ssyncadd.s32 $0xFFFFD800  }
.LBB2_1:
0x21: {  	[spmem:s11], [sflag:s6] =	dma.local [hbm:s5], $0x2800  }
.Ltmp2:
0x22: {  	_ =	swait.ge [sflag:s12], $0x2800;
	(pc) =	sbr.rel @!p0 .LBB2_2-.Ltmp2, $3  }
0x23: {  	[sflag:s12] =	ssyncset.done $0x0  }
0x24: {  	[sflag:s12] =	ssyncadd.s32 $0xFFFFD800  }
0x25: {  	[bflag:$0x0] =	sbarrier.arrive $0xFFFF;
	_ =	sdelay $0x1  }
0x26: {  	s16 =	simm.s32 $0x0  }
0x27: {  	[tilespmem:s13], [sflag:$0x1] =	stream.linear.gather [hbm4b:s2+s16], $0x2800, $0x38;
	[tilespmem:$0x16880] =	vst v63  }
0x28: {  	_ =	swait.ge [sflag:s12], $0x2800  }
0x29: {  	[sflag:s12] =	ssyncset.done $0x0  }
0x2a: {  	s31 =	sadd.s32 $0x0, s10;
	[sflag:s12] =	ssyncadd.s32 $0xFFFFD800  }
0x2b: {  	[tilespmem:s4], [sflag:$0x1] =	stream.linear.gather [hbm4b:s31+s4], $0x50, $0x38;
	[tilespmem:$0x16880] =	vst v63  }
0x2c: {  	_ =	swait.ge [sflag:s12], $0x50  }
0x2d: {  	[sflag:s12] =	ssyncset.done $0x0  }
0x2e: {  	[sflag:s12] =	ssyncadd.s32 $0xFFFFFFB0  }
0x2f: {  	[spmem:s3] =	stream.indirect.scatter.add.f32 [tilespmem:s13], [sflag:$0x1], $0x80, s4, s14, $0xb8;
	[tilespmem:$0x16880] =	vst v63  }
0x30: {  	_ =	swait.ge [sflag:s12], $0x2800  }
0x31: {  	s17 =	simm.s32 $0x14;
	s16 =	simm.s32 $0xA;
	[sflag:s12] =	ssyncset.done $0x0  }
.LBB2_6:
0x32: {  	s18 =	sadd.s32 s16, s10  }
0x33: {  	[sflag:s12] =	ssyncadd.s32 $0xFFFFD800;
	s16 =	smov.u32 s17;
	s19 =	sadd.s32 $0xA, s17  }
0x34: {  	[tilespmem:s4], [sflag:$0x1] =	stream.linear.gather [hbm4b:s18+s4], $0x50, $0x38;
	[tilespmem:$0x16880] =	vst v63  }
0x35: {  	p1 =	sne.s32 s17, $0x9BA;
	_ =	swait.ge [sflag:s12], $0x50  }
.Ltmp3:
0x36: {  	[sflag:s12] =	ssyncset.done $0x0;
	(pc) =	sbr.rel @p1 .LBB2_6-.Ltmp3, $4  }
0x37: {  	[sflag:s12] =	ssyncadd.s32 $0xFFFFFFB0  }
0x38: {  	[spmem:s3] =	stream.indirect.scatter.add.f32 [tilespmem:s13], [sflag:$0x1], $0x80, s4, s14, $0xb8;
	[tilespmem:$0x16880] =	vst v63  }
0x39: {  	_ =	swait.ge [sflag:s12], $0x2800  }
0x3a: {  	s17 =	smov.u32 s19;
	[sflag:s12] =	ssyncset.done $0x0  }
.Ltmp4:
0x3b: {  	_ = 	snop;
	(pc) =	sbr.rel .LBB2_7-.Ltmp4, $1  }
0x3c: {  	_ =	sdelay $0x3  }
.LBB2_2:
0x3d: {  	s16 =	sadd.s32 $0x0, s10  }
0x3e: {  	[tilespmem:s4], [sflag:$0x1] =	stream.linear.gather [hbm4b:s16+s4], $0x50, $0x38;
	[tilespmem:$0x16880] =	vst v63  }
0x3f: {  	_ =	swait.ge [sflag:s12], $0x50  }
0x40: {  	[sflag:s12] =	ssyncset.done $0x0  }
0x41: {  	[sflag:s12] =	ssyncadd.s32 $0xFFFFFFB0  }
0x42: {  	[tilespmem:s13], [sflag:$0x1] =	stream.linear.gather [hbm4b:s9+s4], $0x2800, $0x38;
	[tilespmem:$0x16880] =	vst v63  }
0x43: {  	_ =	swait.ge [sflag:s12], $0x2800  }
0x44: {  	[sflag:s12] =	ssyncset.done $0x0  }
0x45: {  	[sflag:s12] =	ssyncadd.s32 $0xFFFFD800  }
0x46: {  	[spmem:s3] =	stream.indirect.scatter.add.f32 [tilespmem:s13], [sflag:$0x1], $0x80, s4, s14, $0xb8;
	[tilespmem:$0x16880] =	vst v63  }
0x47: {  	s17 =	simm.s32 $0xA;
	_ =	swait.ge [sflag:s12], $0x2800  }
0x48: {  	s18 =	simm.s32 $0x14;
	s16 =	sadd.s32 $0x500, s9;
	[sflag:s12] =	ssyncset.done $0x0  }
.LBB2_3:
0x49: {  	s19 =	sadd.s32 s17, s10  }
0x4a: {  	[sflag:s12] =	ssyncadd.s32 $0xFFFFD800;
	s17 =	smov.u32 s18;
	s20 =	sadd.s32 $0xA, s18  }
0x4b: {  	[tilespmem:s4], [sflag:$0x1] =	stream.linear.gather [hbm4b:s19+s4], $0x50, $0x38;
	[tilespmem:$0x16880] =	vst v63  }
0x4c: {  	p1 =	seq.s32 s18, $0x9BA;
	_ =	swait.ge [sflag:s12], $0x50  }
0x4d: {  	[sflag:s12] =	ssyncset.done $0x0  }
0x4e: {  	[sflag:s12] =	ssyncadd.s32 $0xFFFFFFB0  }
0x4f: {  	[tilespmem:s13], [sflag:$0x1] =	stream.linear.gather [hbm4b:s16+s4], $0x2800, $0x38;
	[tilespmem:$0x16880] =	vst v63  }
0x50: {  	_ =	swait.ge [sflag:s12], $0x2800  }
.Ltmp5:
0x51: {  	[sflag:s12] =	ssyncset.done $0x0;
	(pc) =	sbr.rel @!p1 .LBB2_3-.Ltmp5, $4  }
0x52: {  	[sflag:s12] =	ssyncadd.s32 $0xFFFFD800  }
0x53: {  	[spmem:s3] =	stream.indirect.scatter.add.f32 [tilespmem:s13], [sflag:$0x1], $0x80, s4, s14, $0xb8;
	[tilespmem:$0x16880] =	vst v63  }
0x54: {  	_ =	swait.ge [sflag:s12], $0x2800  }
0x55: {  	s18 =	smov.u32 s20;
	s16 =	sadd.s32 $0x500, s16;
	[sflag:s12] =	ssyncset.done $0x0  }
0x56: {  	s17 =	sadd.s32 s17, s10;
	[sflag:s12] =	ssyncadd.s32 $0xFFFFD800  }
0x57: {  	[tilespmem:s4], [sflag:$0x1] =	stream.linear.gather [hbm4b:s17+s4], $0x50, $0x38;
	[tilespmem:$0x16880] =	vst v63  }
0x58: {  	_ =	swait.ge [sflag:s12], $0x50  }
0x59: {  	[sflag:s12] =	ssyncset.done $0x0  }
0x5a: {  	[sflag:s12] =	ssyncadd.s32 $0xFFFFFFB0  }
0x5b: {  	[tilespmem:s13], [sflag:$0x1] =	stream.linear.gather [hbm4b:s16+s4], $0x2800, $0x38;
	[tilespmem:$0x16880] =	vst v63  }
0x5c: {  	_ =	swait.ge [sflag:s12], $0x2800  }
0x5d: {  	[sflag:s12] =	ssyncset.done $0x0  }
.Ltmp6:
0x5e: {  	[sflag:s12] =	ssyncadd.s32 $0xFFFFD800;
	(pc) =	sbr.rel .LBB2_8-.Ltmp6, $4  }
0x5f: {  	[spmem:s3] =	stream.indirect.scatter.add.f32 [tilespmem:s13], [sflag:$0x1], $0x80, s4, s14, $0xb8;
	[tilespmem:$0x16880] =	vst v63  }
0x60: {  	_ =	swait.ge [sflag:s12], $0x2800  }
0x61: {  	[sflag:s12] =	ssyncset.done $0x0  }
0x62: {  	[sflag:s12] =	ssyncadd.s32 $0xFFFFD800  }
.LBB2_9:
0x63: {  	_ =	sfence.sel $0x180000  }
0x64: {  	[bflag:$0x0] =	sbarrier.arrive $0xFFFF  }
0x65: {  	p0 =	sne.s32 s1, $0x0;
	_ =	strace $0x9000004A  }
0x66: {  	s0 =	sadd.s32 @!p0 $0x100000, s0;
	[bflag:$0x2] =	sbarrier.arrive $0xFFFF  }
0x67: {  	[sflag:s0] =	ssyncadd.tile.s32 @!p0 $0x1;
	_ =	shalt  }
.Lfunc_end2:
_tile_overlayer_lowered:
.L_overlay_start_2:
0x68: {  	(tag) =	ssettag $0x2  }
0x69: {  	s0 =	rddreg [dreg:$0x0];
	s2 =	stileid.u32  }
0x6a: {  	s1 =	rddreg [dreg:$0x1];
	p0 =	sne.s32 s2, $0x0  }
0x6b: {  	s3 =	rddreg [dreg:$0x2];
	[bflag:$0x3] =	sbarrier.arrive $0xFFFF;
	s2 =	simm.s32 @!p0 $0x1C01  }
0x6c: {  	[timem:s3], [sflag:s2] =	dma.local @!p0 [hbm:s0], s1  }
0x6d: {  	s0 =	simm.s32 @!p0 $0x1  }
0x6e: {  	_ =	swait.ge @!p0 [sflag:s0], s1  }
0x6f: {  	s1 =	ssub.s32 @!p0 $0x0, s1;
	[sflag:s0] =	ssyncset.done @!p0 $0x0  }
0x70: {  	[sflag:s0] =	ssyncadd.s32 @!p0 s1  }
0x71: {  	[bflag:$0x3] =	sbarrier.arrive $0xFFFF  }
0x72: {  	_ =	shalt  }

</sc_bundles>
